<compile_context>
chip_gen: v7x
topology: tpu7x:2x2x1
jax: 0.10.2.dev20260603
libtpu: 0.0.44.dev20260713+nightly
codegen_flags: <defaults>
</compile_context>

<pallas_src>
import jax
import jax.numpy as jnp
from jax.experimental import pallas as pl
from jax.experimental.pallas import tpu as pltpu

_WE = 128
_B = 8
_NEG_INF = float("-inf")


def _dot(a, b):
    return jax.lax.dot_general(a, b, (((1,), (0,)), ((), ())),
                               preferred_element_type=jnp.float32)


def _tc_kernel(starts_ref, lens_ref, heads_ref, ml_ref,
               words_ref, emb_ref,
               w1h_ref, w1c_ref, w1e_ref, b1_ref,
               w2_ref, b2_ref, w3_ref, b3_ref,
               c1w_ref, c1b_ref, c2w_ref, c2b_ref, init_ref,
               out_ref,
               owin_ref, sem_ref):
    i = pl.program_id(0)
    ml = ml_ref[0]
    in_size = words_ref.shape[1]

    t = jax.lax.broadcasted_iota(jnp.int32, (_WE, 1), 0)
    t8 = jax.lax.broadcasted_iota(jnp.int32, (8, 1), 0)

    wins, hrows, rels, spans, inlens, s8s, js = [], [], [], [], [], [], []
    for b in range(_B):
        j = i * _B + b
        s = starts_ref[j]
        L = lens_ref[j]
        hd = heads_ref[j]
        s8 = pl.multiple_of((s // 8) * 8, 8)
        d = s - s8
        hd8 = pl.multiple_of((hd // 8) * 8, 8)
        wins.append(words_ref[pl.ds(s8, _WE), :])
        hblk = words_ref[pl.ds(hd8, 8), :]
        hrow = jnp.sum(jnp.where(t8 == hd - hd8, hblk, 0.0),
                       axis=0, keepdims=True)
        hrows.append(hrow)
        rels.append(hd - (s8 + t))
        spans.append((t >= d) & (t < d + L))
        inlens.append((t >= d) & (t < d + ml))
        s8s.append(s8)
        js.append(j)

    win = jnp.concatenate(wins, axis=0)
    rel = jnp.concatenate(rels, axis=0)
    in_span = jnp.concatenate(spans, axis=0)
    in_len = jnp.concatenate(inlens, axis=0)

    hstack = jnp.concatenate(hrows, axis=0)
    ph = _dot(hstack, w1h_ref[...])
    phx = jnp.concatenate(
        [jnp.broadcast_to(ph[b:b + 1], (_WE, ph.shape[1]))
         for b in range(_B)], axis=0)

    eid = rel + 63
    eid = jnp.where((eid < 0) | (eid > 126), 127, eid)
    lane = jax.lax.broadcasted_iota(jnp.int32, (_B * _WE, 128), 1)
    onehot = (lane == eid).astype(jnp.float32)
    embrows = _dot(onehot, emb_ref[...])

    pre = (_dot(win, w1c_ref[...])
           + _dot(embrows, w1e_ref[...])
           + phx)
    pre = jnp.where(in_span, pre, 0.0)
    h = jnp.maximum(pre + b1_ref[...], 0.0)
    h = jnp.maximum(_dot(h, w2_ref[...]) + b2_ref[...], 0.0)
    h = _dot(h, w3_ref[...]) + b3_ref[...]
    hm = jnp.where(in_len, h, 0.0)

    z64 = jnp.zeros((1, 64), jnp.float32)
    hprev = jnp.concatenate([z64, hm[:-1]], axis=0)
    hnext = jnp.concatenate([hm[1:], z64], axis=0)
    g = (_dot(hprev, c1w_ref[0]) + _dot(hm, c1w_ref[1])
         + _dot(hnext, c1w_ref[2]) + c1b_ref[...])
    gm = jnp.where(in_len, g, 0.0)

    z4 = jnp.zeros((1, 4), jnp.float32)
    gprev = jnp.concatenate([z4, gm[:-1]], axis=0)
    gnext = jnp.concatenate([gm[1:], z4], axis=0)
    r = (_dot(gprev, c2w_ref[0]) + _dot(gm, c2w_ref[1])
         + _dot(gnext, c2w_ref[2]) + c2b_ref[...])

    lane2 = jax.lax.broadcasted_iota(jnp.int32, (_B * _WE, 2), 1)
    sgn = 1 - 2 * lane2
    valid = ((rel * sgn) >= 0) & in_span
    owin_ref[...] = jnp.where(valid, r, _NEG_INF)

    cps = []
    for b in range(_B):
        cp = pltpu.make_async_copy(
            owin_ref.at[pl.ds(b * _WE, _WE), :],
            out_ref.at[js[b], pl.ds(s8s[b], _WE), :],
            sem_ref.at[0])
        cp.start()
        cps.append(cp)
    for cp in cps:
        cp.wait()


def kernel(words, sent_id, heads_ids, emb,
           W1, b1, W2, b2, W3, b3, c1w, c1b, c2w, c2b):
    n_words, in_size = words.shape
    n_heads = heads_ids.shape[0]

    heads = heads_ids.astype(jnp.int32)
    sid_h = jnp.take(sent_id, heads, axis=0)
    starts = jnp.searchsorted(sent_id, sid_h, side="left").astype(jnp.int32)
    ends = jnp.searchsorted(sent_id, sid_h, side="right").astype(jnp.int32)
    lens = ends - starts
    ml = jnp.max(lens)[None].astype(jnp.int32)

    words_pad = jnp.concatenate(
        [words, jnp.zeros((_WE, in_size), words.dtype)], axis=0)
    words_pad_shape = words_pad.shape

    w1h = W1[:, :in_size].T
    w1c = W1[:, in_size:2 * in_size].T
    w1e = W1[:, 2 * in_size:].T
    c1wT = jnp.transpose(c1w, (2, 1, 0))
    c2wT = jnp.transpose(c2w, (2, 1, 0))

    grid_spec = pltpu.PrefetchScalarGridSpec(
        num_scalar_prefetch=4,
        grid=(n_heads // _B,),
        in_specs=[
            pl.BlockSpec(words_pad_shape, lambda i, *_: (0, 0)),
            pl.BlockSpec(emb.shape, lambda i, *_: (0, 0)),
            pl.BlockSpec(w1h.shape, lambda i, *_: (0, 0)),
            pl.BlockSpec(w1c.shape, lambda i, *_: (0, 0)),
            pl.BlockSpec(w1e.shape, lambda i, *_: (0, 0)),
            pl.BlockSpec((1, b1.shape[0]), lambda i, *_: (0, 0)),
            pl.BlockSpec((W2.shape[1], W2.shape[0]), lambda i, *_: (0, 0)),
            pl.BlockSpec((1, b2.shape[0]), lambda i, *_: (0, 0)),
            pl.BlockSpec((W3.shape[1], W3.shape[0]), lambda i, *_: (0, 0)),
            pl.BlockSpec((1, b3.shape[0]), lambda i, *_: (0, 0)),
            pl.BlockSpec(c1wT.shape, lambda i, *_: (0, 0, 0)),
            pl.BlockSpec((1, c1b.shape[0]), lambda i, *_: (0, 0)),
            pl.BlockSpec(c2wT.shape, lambda i, *_: (0, 0, 0)),
            pl.BlockSpec((1, c2b.shape[0]), lambda i, *_: (0, 0)),
            pl.BlockSpec(memory_space=pl.ANY),
        ],
        out_specs=pl.BlockSpec(memory_space=pl.ANY),
        scratch_shapes=[
            pltpu.VMEM((_B * _WE, 2), jnp.float32),
            pltpu.SemaphoreType.DMA((1,)),
        ],
    )

    init = jnp.full((n_heads, n_words + _WE, 2), _NEG_INF, jnp.float32)
    out_pad = pl.pallas_call(
        _tc_kernel,
        grid_spec=grid_spec,
        out_shape=jax.ShapeDtypeStruct((n_heads, n_words + _WE, 2),
                                       jnp.float32),
        input_output_aliases={18: 0},
    )(starts, lens, heads, ml,
      words_pad, emb,
      w1h, w1c, w1e, b1[None, :],
      W2.T, b2[None, :], W3.T, b3[None, :],
      c1wT, c1b[None, :], c2wT, c2b[None, :], init)

    return out_pad[:, :n_words]

# --- scband reference (transcript-rebuilt; emitter-appended) ---
"""Pipeline reference for scband-span-predictor-51840255262833 (READ-ONLY COPY).

The authoritative reference and input builder live on the scoring server;
editing this copy changes nothing except your own understanding.
"""

import jax, jax.numpy as jnp
import numpy as np

N_WORDS = 8192
N_HEADS = 1024
N_SENT = 1024
INPUT_SIZE = 512
HIDDEN = 512
DIST = 64


def _uniform(key, shape, fan_in):
    b = 1.0 / np.sqrt(fan_in)
    return jax.random.uniform(key, shape, minval=-b, maxval=b, dtype=jnp.float32)


def setup_inputs(seed: int = 0):
    key = jax.random.key(seed)
    ks = jax.random.split(key, 14)
    words = jax.random.normal(ks[0], (N_WORDS, INPUT_SIZE), dtype=jnp.float32)
    sent_id = jnp.sort(jax.random.randint(ks[1], (N_WORDS,), 0, N_SENT))
    heads_ids = jax.random.randint(ks[2], (N_HEADS,), 0, N_WORDS)
    d_in = INPUT_SIZE * 2 + DIST
    emb = jax.random.normal(ks[3], (128, DIST), dtype=jnp.float32)
    W1 = _uniform(ks[4], (HIDDEN, d_in), d_in)
    b1 = _uniform(ks[5], (HIDDEN,), d_in)
    W2 = _uniform(ks[6], (256, HIDDEN), HIDDEN)
    b2 = _uniform(ks[7], (256,), HIDDEN)
    W3 = _uniform(ks[8], (DIST, 256), 256)
    b3 = _uniform(ks[9], (DIST,), 256)
    c1w = _uniform(ks[10], (4, 64, 3), 64 * 3)
    c1b = _uniform(ks[11], (4,), 64 * 3)
    c2w = _uniform(ks[12], (2, 4, 3), 4 * 3)
    c2b = _uniform(ks[13], (2,), 4 * 3)
    return dict(words=words, sent_id=sent_id, heads_ids=heads_ids, emb=emb,
                W1=W1, b1=b1, W2=W2, b2=b2, W3=W3, b3=b3,
                c1w=c1w, c1b=c1b, c2w=c2w, c2b=c2b)


def _conv1d(x, w, b):
    y = jax.lax.conv_general_dilated(x, w, (1,), [(1, 1)], dimension_numbers=('NCH', 'OIH', 'NCH'))
    return y + b[None, :, None]


def reference(words, sent_id, heads_ids, emb, W1, b1, W2, b2, W3, b3, c1w, c1b, c2w, c2b):
    n_words = words.shape[0]
    n_heads = heads_ids.shape[0]
    rel = heads_ids[:, None] - jnp.arange(n_words)[None, :]
    same_sent = sent_id[heads_ids][:, None] == sent_id[None, :]
    lengths = same_sent.sum(axis=1)
    max_len = lengths.max()
    pos = jnp.arange(n_words)
    len_mask = pos < max_len

    def per_head(i):
        mask_row = same_sent[i]
        L = lengths[i]
        perm = jnp.argsort(jnp.logical_not(mask_row))
        valid_pos = pos < L
        cols_i = perm
        rel_i = heads_ids[i] - cols_i
        emb_ids_i = rel_i + 63
        emb_ids_i = jnp.where((emb_ids_i < 0) | (emb_ids_i > 126), 127, emb_ids_i)
        head_feat = jnp.broadcast_to(words[heads_ids[i]][None, :], (n_words, words.shape[1]))
        feats = jnp.concatenate([head_feat, words[cols_i], emb[emb_ids_i]], axis=1)
        padded = jnp.where(valid_pos[:, None], feats, jnp.float32(0.0))
        h = jax.nn.relu(padded @ W1.T + b1)
        h = jax.nn.relu(h @ W2.T + b2)
        h = h @ W3.T + b3
        h = jnp.where(len_mask[:, None], h, jnp.float32(0.0))
        x = jnp.transpose(h)[None, :, :]
        x = _conv1d(x, c1w, c1b)
        x = jnp.where(len_mask[None, None, :], x, jnp.float32(0.0))
        x = _conv1d(x, c2w, c2b)
        res_i = jnp.transpose(x[0])
        vals = jnp.where(valid_pos[:, None], res_i, -jnp.inf)
        return jnp.zeros((n_words, 2), jnp.float32).at[perm].set(vals)

    scores = jax.lax.map(per_head, jnp.arange(n_heads))
    valid_starts = jnp.log((rel >= 0).astype(jnp.float32))
    valid_ends = jnp.log((rel <= 0).astype(jnp.float32))
    valid = jnp.stack([valid_starts, valid_ends], axis=2)
    return scores + valid

if __name__ == "__main__":
    import jax
    _d = setup_inputs()
    print(jax.jit(kernel)(*tuple(_d.values())))

</pallas_src>

<mosaic_0001>
module attributes {stable_mosaic.version = 14 : i64} {
  func.func @_tc_kernel(%arg0: i32, %arg1: memref<1024xi32, #tpu.memory_space<smem>>, %arg2: memref<1024xi32, #tpu.memory_space<smem>>, %arg3: memref<1024xi32, #tpu.memory_space<smem>>, %arg4: memref<1xi32, #tpu.memory_space<smem>>, %arg5: memref<8320x512xf32, #tpu.memory_space<vmem>>, %arg6: memref<128x64xf32, #tpu.memory_space<vmem>>, %arg7: memref<512x512xf32, #tpu.memory_space<vmem>>, %arg8: memref<512x512xf32, #tpu.memory_space<vmem>>, %arg9: memref<64x512xf32, #tpu.memory_space<vmem>>, %arg10: memref<1x512xf32, #tpu.memory_space<vmem>>, %arg11: memref<512x256xf32, #tpu.memory_space<vmem>>, %arg12: memref<1x256xf32, #tpu.memory_space<vmem>>, %arg13: memref<256x64xf32, #tpu.memory_space<vmem>>, %arg14: memref<1x64xf32, #tpu.memory_space<vmem>>, %arg15: memref<3x64x4xf32, #tpu.memory_space<vmem>>, %arg16: memref<1x4xf32, #tpu.memory_space<vmem>>, %arg17: memref<3x4x2xf32, #tpu.memory_space<vmem>>, %arg18: memref<1x2xf32, #tpu.memory_space<vmem>>, %arg19: memref<1024x8320x2xf32, #tpu.memory_space<any>>, %arg20: memref<1024x8320x2xf32, #tpu.memory_space<any>>, %arg21: memref<1024x2xf32, #tpu.memory_space<vmem>>, %arg22: memref<1x!tpu.dma_semaphore, #tpu.memory_space<semaphore_mem>>) attributes {dimension_semantics = [#tpu.dimension_semantics<arbitrary>], iteration_bounds = array<i64: 128>, scalar_prefetch = 4 : i64, scratch_operands = 2 : i64, tpu.core_type = #tpu.core_type<tc>, window_params = [{pipeline_mode = #tpu.pipeline_mode<synchronous>, transform_indices = @transform_0, window_bounds = array<i64: 8320, 512>}, {pipeline_mode = #tpu.pipeline_mode<synchronous>, transform_indices = @transform_1, window_bounds = array<i64: 128, 64>}, {pipeline_mode = #tpu.pipeline_mode<synchronous>, transform_indices = @transform_2, window_bounds = array<i64: 512, 512>}, {pipeline_mode = #tpu.pipeline_mode<synchronous>, transform_indices = @transform_3, window_bounds = array<i64: 512, 512>}, {pipeline_mode = #tpu.pipeline_mode<synchronous>, transform_indices = @transform_4, window_bounds = array<i64: 64, 512>}, {pipeline_mode = #tpu.pipeline_mode<synchronous>, transform_indices = @transform_5, window_bounds = array<i64: 1, 512>}, {pipeline_mode = #tpu.pipeline_mode<synchronous>, transform_indices = @transform_6, window_bounds = array<i64: 512, 256>}, {pipeline_mode = #tpu.pipeline_mode<synchronous>, transform_indices = @transform_7, window_bounds = array<i64: 1, 256>}, {pipeline_mode = #tpu.pipeline_mode<synchronous>, transform_indices = @transform_8, window_bounds = array<i64: 256, 64>}, {pipeline_mode = #tpu.pipeline_mode<synchronous>, transform_indices = @transform_9, window_bounds = array<i64: 1, 64>}, {pipeline_mode = #tpu.pipeline_mode<synchronous>, transform_indices = @transform_10, window_bounds = array<i64: 3, 64, 4>}, {pipeline_mode = #tpu.pipeline_mode<synchronous>, transform_indices = @transform_11, window_bounds = array<i64: 1, 4>}, {pipeline_mode = #tpu.pipeline_mode<synchronous>, transform_indices = @transform_12, window_bounds = array<i64: 3, 4, 2>}, {pipeline_mode = #tpu.pipeline_mode<synchronous>, transform_indices = @transform_13, window_bounds = array<i64: 1, 2>}, {}, {}]} {
    %get3A = arith.constant 0 : index
    %get3A_0 = memref.load %arg4[%get3A] : memref<1xi32, #tpu.memory_space<smem>>
    %iota3A = tpu.iota {dimensions = array<i32: 0>} : vector<128x1xi32>
    %iota3A_1 = tpu.iota {dimensions = array<i32: 0>} : vector<8x1xi32>
    %mul3A = arith.constant 8 : i32
    %mul3A_2 = arith.muli %arg0, %mul3A : i32
    %add3A = arith.constant 0 : i32
    %add3A_3 = arith.addi %mul3A_2, %add3A : i32
    %get3A_4 = arith.index_cast %add3A_3 : i32 to index
    %get3A_5 = memref.load %arg1[%get3A_4] : memref<1024xi32, #tpu.memory_space<smem>>
    %get3A_6 = arith.index_cast %add3A_3 : i32 to index
    %get3A_7 = memref.load %arg2[%get3A_6] : memref<1024xi32, #tpu.memory_space<smem>>
    %get3A_8 = arith.index_cast %add3A_3 : i32 to index
    %get3A_9 = memref.load %arg3[%get3A_8] : memref<1024xi32, #tpu.memory_space<smem>>
    %jit3A = arith.constant 8 : i32
    %div3A = arith.divsi %get3A_5, %jit3A : i32
    %sign3A = arith.constant 0 : i32
    %sign3A_10 = arith.cmpi sgt, %get3A_5, %sign3A : i32
    %sign3A_11 = arith.extui %sign3A_10 : i1 to i32
    %sign3A_12 = arith.constant 0 : i32
    %sign3A_13 = arith.cmpi slt, %get3A_5, %sign3A_12 : i32
    %sign3A_14 = arith.extui %sign3A_13 : i1 to i32
    %sign3A_15 = arith.subi %sign3A_11, %sign3A_14 : i32
    %sign3A_16 = arith.constant 0 : i32
    %sign3A_17 = arith.cmpi sgt, %jit3A, %sign3A_16 : i32
    %sign3A_18 = arith.extui %sign3A_17 : i1 to i32
    %sign3A_19 = arith.constant 0 : i32
    %sign3A_20 = arith.cmpi slt, %jit3A, %sign3A_19 : i32
    %sign3A_21 = arith.extui %sign3A_20 : i1 to i32
    %sign3A_22 = arith.subi %sign3A_18, %sign3A_21 : i32
    %ne3A = arith.cmpi ne, %sign3A_15, %sign3A_22 : i32
    %rem3A = arith.remsi %get3A_5, %jit3A : i32
    %ne3A_23 = arith.constant 0 : i32
    %ne3A_24 = arith.cmpi ne, %rem3A, %ne3A_23 : i32
    %and3A = arith.andi %ne3A, %ne3A_24 : i1
    %sub3A = arith.constant 1 : i32
    %sub3A_25 = arith.subi %div3A, %sub3A : i32
    %select_n3A = arith.select %and3A, %sub3A_25, %div3A : i32
    %mul3A_26 = arith.constant 8 : i32
    %mul3A_27 = arith.muli %select_n3A, %mul3A_26 : i32
    %multiple_of3A = tpu.assume_multiple %mul3A_27, 8 : i32
    %sub3A_28 = arith.subi %get3A_5, %multiple_of3A : i32
    %jit3A_29 = arith.constant 8 : i32
    %div3A_30 = arith.divsi %get3A_9, %jit3A_29 : i32
    %sign3A_31 = arith.constant 0 : i32
    %sign3A_32 = arith.cmpi sgt, %get3A_9, %sign3A_31 : i32
    %sign3A_33 = arith.extui %sign3A_32 : i1 to i32
    %sign3A_34 = arith.constant 0 : i32
    %sign3A_35 = arith.cmpi slt, %get3A_9, %sign3A_34 : i32
    %sign3A_36 = arith.extui %sign3A_35 : i1 to i32
    %sign3A_37 = arith.subi %sign3A_33, %sign3A_36 : i32
    %sign3A_38 = arith.constant 0 : i32
    %sign3A_39 = arith.cmpi sgt, %jit3A_29, %sign3A_38 : i32
    %sign3A_40 = arith.extui %sign3A_39 : i1 to i32
    %sign3A_41 = arith.constant 0 : i32
    %sign3A_42 = arith.cmpi slt, %jit3A_29, %sign3A_41 : i32
    %sign3A_43 = arith.extui %sign3A_42 : i1 to i32
    %sign3A_44 = arith.subi %sign3A_40, %sign3A_43 : i32
    %ne3A_45 = arith.cmpi ne, %sign3A_37, %sign3A_44 : i32
    %rem3A_46 = arith.remsi %get3A_9, %jit3A_29 : i32
    %ne3A_47 = arith.constant 0 : i32
    %ne3A_48 = arith.cmpi ne, %rem3A_46, %ne3A_47 : i32
    %and3A_49 = arith.andi %ne3A_45, %ne3A_48 : i1
    %sub3A_50 = arith.constant 1 : i32
    %sub3A_51 = arith.subi %div3A_30, %sub3A_50 : i32
    %select_n3A_52 = arith.select %and3A_49, %sub3A_51, %div3A_30 : i32
    %mul3A_53 = arith.constant 8 : i32
    %mul3A_54 = arith.muli %select_n3A_52, %mul3A_53 : i32
    %multiple_of3A_55 = tpu.assume_multiple %mul3A_54, 8 : i32
    %get3A_56 = arith.index_cast %multiple_of3A : i32 to index
    %get3A_57 = arith.constant 0 : index
    %get3A_58 = vector.load %arg5[%get3A_56, %get3A_57] : memref<8320x512xf32, #tpu.memory_space<vmem>>, vector<128x512xf32>
    %get3A_59 = arith.index_cast %multiple_of3A_55 : i32 to index
    %get3A_60 = arith.constant 0 : index
    %get3A_61 = vector.load %arg5[%get3A_59, %get3A_60] : memref<8320x512xf32, #tpu.memory_space<vmem>>, vector<8x512xf32>
    %sub3A_62 = arith.subi %get3A_9, %multiple_of3A_55 : i32
    %eq3A = vector.broadcast %sub3A_62 : i32 to vector<8x1xi32>
    %eq3A_63 = arith.cmpi eq, %iota3A_1, %eq3A : vector<8x1xi32>
    %jit3A_64 = arith.constant 0.000000e+00 : f32
    %broadcast_in_dim3A = vector.shape_cast %eq3A_63 : vector<8x1xi1> to vector<8x1xi1>
    %broadcast_in_dim3A_65 = vector.broadcast %broadcast_in_dim3A : vector<8x1xi1> to vector<8x512xi1>
    %broadcast_in_dim3A_66 = vector.broadcast %jit3A_64 : f32 to vector<8x512xf32>
    %select_n3A_67 = arith.select %broadcast_in_dim3A_65, %get3A_61, %broadcast_in_dim3A_66 : vector<8x512xi1>, vector<8x512xf32>
    %reduce_sum3A = arith.constant dense<0.000000e+00> : vector<512xf32>
    %reduce_sum3A_68 = vector.multi_reduction <add>, %select_n3A_67, %reduce_sum3A [0] : vector<8x512xf32> to vector<512xf32>
    %broadcast_in_dim3A_69 = vector.shape_cast %reduce_sum3A_68 : vector<512xf32> to vector<1x512xf32>
    %add3A_70 = vector.broadcast %multiple_of3A : i32 to vector<128x1xi32>
    %add3A_71 = arith.addi %add3A_70, %iota3A : vector<128x1xi32>
    %sub3A_72 = vector.broadcast %get3A_9 : i32 to vector<128x1xi32>
    %sub3A_73 = arith.subi %sub3A_72, %add3A_71 : vector<128x1xi32>
    %ge3A = vector.broadcast %sub3A_28 : i32 to vector<128x1xi32>
    %ge3A_74 = arith.cmpi sge, %iota3A, %ge3A : vector<128x1xi32>
    %add3A_75 = arith.addi %sub3A_28, %get3A_7 : i32
    %lt3A = vector.broadcast %add3A_75 : i32 to vector<128x1xi32>
    %lt3A_76 = arith.cmpi slt, %iota3A, %lt3A : vector<128x1xi32>
    %and3A_77 = arith.andi %ge3A_74, %lt3A_76 : vector<128x1xi1>
    %ge3A_78 = vector.broadcast %sub3A_28 : i32 to vector<128x1xi32>
    %ge3A_79 = arith.cmpi sge, %iota3A, %ge3A_78 : vector<128x1xi32>
    %add3A_80 = arith.addi %sub3A_28, %get3A_0 : i32
    %lt3A_81 = vector.broadcast %add3A_80 : i32 to vector<128x1xi32>
    %lt3A_82 = arith.cmpi slt, %iota3A, %lt3A_81 : vector<128x1xi32>
    %and3A_83 = arith.andi %ge3A_79, %lt3A_82 : vector<128x1xi1>
    %mul3A_84 = arith.constant 8 : i32
    %mul3A_85 = arith.muli %arg0, %mul3A_84 : i32
    %add3A_86 = arith.constant 1 : i32
    %add3A_87 = arith.addi %mul3A_85, %add3A_86 : i32
    %get3A_88 = arith.index_cast %add3A_87 : i32 to index
    %get3A_89 = memref.load %arg1[%get3A_88] : memref<1024xi32, #tpu.memory_space<smem>>
    %get3A_90 = arith.index_cast %add3A_87 : i32 to index
    %get3A_91 = memref.load %arg2[%get3A_90] : memref<1024xi32, #tpu.memory_space<smem>>
    %get3A_92 = arith.index_cast %add3A_87 : i32 to index
    %get3A_93 = memref.load %arg3[%get3A_92] : memref<1024xi32, #tpu.memory_space<smem>>
    %jit3A_94 = arith.constant 8 : i32
    %div3A_95 = arith.divsi %get3A_89, %jit3A_94 : i32
    %sign3A_96 = arith.constant 0 : i32
    %sign3A_97 = arith.cmpi sgt, %get3A_89, %sign3A_96 : i32
    %sign3A_98 = arith.extui %sign3A_97 : i1 to i32
    %sign3A_99 = arith.constant 0 : i32
    %sign3A_100 = arith.cmpi slt, %get3A_89, %sign3A_99 : i32
    %sign3A_101 = arith.extui %sign3A_100 : i1 to i32
    %sign3A_102 = arith.subi %sign3A_98, %sign3A_101 : i32
    %sign3A_103 = arith.constant 0 : i32
    %sign3A_104 = arith.cmpi sgt, %jit3A_94, %sign3A_103 : i32
    %sign3A_105 = arith.extui %sign3A_104 : i1 to i32
    %sign3A_106 = arith.constant 0 : i32
    %sign3A_107 = arith.cmpi slt, %jit3A_94, %sign3A_106 : i32
    %sign3A_108 = arith.extui %sign3A_107 : i1 to i32
    %sign3A_109 = arith.subi %sign3A_105, %sign3A_108 : i32
    %ne3A_110 = arith.cmpi ne, %sign3A_102, %sign3A_109 : i32
    %rem3A_111 = arith.remsi %get3A_89, %jit3A_94 : i32
    %ne3A_112 = arith.constant 0 : i32
    %ne3A_113 = arith.cmpi ne, %rem3A_111, %ne3A_112 : i32
    %and3A_114 = arith.andi %ne3A_110, %ne3A_113 : i1
    %sub3A_115 = arith.constant 1 : i32
    %sub3A_116 = arith.subi %div3A_95, %sub3A_115 : i32
    %select_n3A_117 = arith.select %and3A_114, %sub3A_116, %div3A_95 : i32
    %mul3A_118 = arith.constant 8 : i32
    %mul3A_119 = arith.muli %select_n3A_117, %mul3A_118 : i32
    %multiple_of3A_120 = tpu.assume_multiple %mul3A_119, 8 : i32
    %sub3A_121 = arith.subi %get3A_89, %multiple_of3A_120 : i32
    %jit3A_122 = arith.constant 8 : i32
    %div3A_123 = arith.divsi %get3A_93, %jit3A_122 : i32
    %sign3A_124 = arith.constant 0 : i32
    %sign3A_125 = arith.cmpi sgt, %get3A_93, %sign3A_124 : i32
    %sign3A_126 = arith.extui %sign3A_125 : i1 to i32
    %sign3A_127 = arith.constant 0 : i32
    %sign3A_128 = arith.cmpi slt, %get3A_93, %sign3A_127 : i32
    %sign3A_129 = arith.extui %sign3A_128 : i1 to i32
    %sign3A_130 = arith.subi %sign3A_126, %sign3A_129 : i32
    %sign3A_131 = arith.constant 0 : i32
    %sign3A_132 = arith.cmpi sgt, %jit3A_122, %sign3A_131 : i32
    %sign3A_133 = arith.extui %sign3A_132 : i1 to i32
    %sign3A_134 = arith.constant 0 : i32
    %sign3A_135 = arith.cmpi slt, %jit3A_122, %sign3A_134 : i32
    %sign3A_136 = arith.extui %sign3A_135 : i1 to i32
    %sign3A_137 = arith.subi %sign3A_133, %sign3A_136 : i32
    %ne3A_138 = arith.cmpi ne, %sign3A_130, %sign3A_137 : i32
    %rem3A_139 = arith.remsi %get3A_93, %jit3A_122 : i32
    %ne3A_140 = arith.constant 0 : i32
    %ne3A_141 = arith.cmpi ne, %rem3A_139, %ne3A_140 : i32
    %and3A_142 = arith.andi %ne3A_138, %ne3A_141 : i1
    %sub3A_143 = arith.constant 1 : i32
    %sub3A_144 = arith.subi %div3A_123, %sub3A_143 : i32
    %select_n3A_145 = arith.select %and3A_142, %sub3A_144, %div3A_123 : i32
    %mul3A_146 = arith.constant 8 : i32
    %mul3A_147 = arith.muli %select_n3A_145, %mul3A_146 : i32
    %multiple_of3A_148 = tpu.assume_multiple %mul3A_147, 8 : i32
    %get3A_149 = arith.index_cast %multiple_of3A_120 : i32 to index
    %get3A_150 = arith.constant 0 : index
    %get3A_151 = vector.load %arg5[%get3A_149, %get3A_150] : memref<8320x512xf32, #tpu.memory_space<vmem>>, vector<128x512xf32>
    %get3A_152 = arith.index_cast %multiple_of3A_148 : i32 to index
    %get3A_153 = arith.constant 0 : index
    %get3A_154 = vector.load %arg5[%get3A_152, %get3A_153] : memref<8320x512xf32, #tpu.memory_space<vmem>>, vector<8x512xf32>
    %sub3A_155 = arith.subi %get3A_93, %multiple_of3A_148 : i32
    %eq3A_156 = vector.broadcast %sub3A_155 : i32 to vector<8x1xi32>
    %eq3A_157 = arith.cmpi eq, %iota3A_1, %eq3A_156 : vector<8x1xi32>
    %jit3A_158 = arith.constant 0.000000e+00 : f32
    %broadcast_in_dim3A_159 = vector.shape_cast %eq3A_157 : vector<8x1xi1> to vector<8x1xi1>
    %broadcast_in_dim3A_160 = vector.broadcast %broadcast_in_dim3A_159 : vector<8x1xi1> to vector<8x512xi1>
    %broadcast_in_dim3A_161 = vector.broadcast %jit3A_158 : f32 to vector<8x512xf32>
    %select_n3A_162 = arith.select %broadcast_in_dim3A_160, %get3A_154, %broadcast_in_dim3A_161 : vector<8x512xi1>, vector<8x512xf32>
    %reduce_sum3A_163 = arith.constant dense<0.000000e+00> : vector<512xf32>
    %reduce_sum3A_164 = vector.multi_reduction <add>, %select_n3A_162, %reduce_sum3A_163 [0] : vector<8x512xf32> to vector<512xf32>
    %broadcast_in_dim3A_165 = vector.shape_cast %reduce_sum3A_164 : vector<512xf32> to vector<1x512xf32>
    %add3A_166 = vector.broadcast %multiple_of3A_120 : i32 to vector<128x1xi32>
    %add3A_167 = arith.addi %add3A_166, %iota3A : vector<128x1xi32>
    %sub3A_168 = vector.broadcast %get3A_93 : i32 to vector<128x1xi32>
    %sub3A_169 = arith.subi %sub3A_168, %add3A_167 : vector<128x1xi32>
    %ge3A_170 = vector.broadcast %sub3A_121 : i32 to vector<128x1xi32>
    %ge3A_171 = arith.cmpi sge, %iota3A, %ge3A_170 : vector<128x1xi32>
    %add3A_172 = arith.addi %sub3A_121, %get3A_91 : i32
    %lt3A_173 = vector.broadcast %add3A_172 : i32 to vector<128x1xi32>
    %lt3A_174 = arith.cmpi slt, %iota3A, %lt3A_173 : vector<128x1xi32>
    %and3A_175 = arith.andi %ge3A_171, %lt3A_174 : vector<128x1xi1>
    %ge3A_176 = vector.broadcast %sub3A_121 : i32 to vector<128x1xi32>
    %ge3A_177 = arith.cmpi sge, %iota3A, %ge3A_176 : vector<128x1xi32>
    %add3A_178 = arith.addi %sub3A_121, %get3A_0 : i32
    %lt3A_179 = vector.broadcast %add3A_178 : i32 to vector<128x1xi32>
    %lt3A_180 = arith.cmpi slt, %iota3A, %lt3A_179 : vector<128x1xi32>
    %and3A_181 = arith.andi %ge3A_177, %lt3A_180 : vector<128x1xi1>
    %mul3A_182 = arith.constant 8 : i32
    %mul3A_183 = arith.muli %arg0, %mul3A_182 : i32
    %add3A_184 = arith.constant 2 : i32
    %add3A_185 = arith.addi %mul3A_183, %add3A_184 : i32
    %get3A_186 = arith.index_cast %add3A_185 : i32 to index
    %get3A_187 = memref.load %arg1[%get3A_186] : memref<1024xi32, #tpu.memory_space<smem>>
    %get3A_188 = arith.index_cast %add3A_185 : i32 to index
    %get3A_189 = memref.load %arg2[%get3A_188] : memref<1024xi32, #tpu.memory_space<smem>>
    %get3A_190 = arith.index_cast %add3A_185 : i32 to index
    %get3A_191 = memref.load %arg3[%get3A_190] : memref<1024xi32, #tpu.memory_space<smem>>
    %jit3A_192 = arith.constant 8 : i32
    %div3A_193 = arith.divsi %get3A_187, %jit3A_192 : i32
    %sign3A_194 = arith.constant 0 : i32
    %sign3A_195 = arith.cmpi sgt, %get3A_187, %sign3A_194 : i32
    %sign3A_196 = arith.extui %sign3A_195 : i1 to i32
    %sign3A_197 = arith.constant 0 : i32
    %sign3A_198 = arith.cmpi slt, %get3A_187, %sign3A_197 : i32
    %sign3A_199 = arith.extui %sign3A_198 : i1 to i32
    %sign3A_200 = arith.subi %sign3A_196, %sign3A_199 : i32
    %sign3A_201 = arith.constant 0 : i32
    %sign3A_202 = arith.cmpi sgt, %jit3A_192, %sign3A_201 : i32
    %sign3A_203 = arith.extui %sign3A_202 : i1 to i32
    %sign3A_204 = arith.constant 0 : i32
    %sign3A_205 = arith.cmpi slt, %jit3A_192, %sign3A_204 : i32
    %sign3A_206 = arith.extui %sign3A_205 : i1 to i32
    %sign3A_207 = arith.subi %sign3A_203, %sign3A_206 : i32
    %ne3A_208 = arith.cmpi ne, %sign3A_200, %sign3A_207 : i32
    %rem3A_209 = arith.remsi %get3A_187, %jit3A_192 : i32
    %ne3A_210 = arith.constant 0 : i32
    %ne3A_211 = arith.cmpi ne, %rem3A_209, %ne3A_210 : i32
    %and3A_212 = arith.andi %ne3A_208, %ne3A_211 : i1
    %sub3A_213 = arith.constant 1 : i32
    %sub3A_214 = arith.subi %div3A_193, %sub3A_213 : i32
    %select_n3A_215 = arith.select %and3A_212, %sub3A_214, %div3A_193 : i32
    %mul3A_216 = arith.constant 8 : i32
    %mul3A_217 = arith.muli %select_n3A_215, %mul3A_216 : i32
    %multiple_of3A_218 = tpu.assume_multiple %mul3A_217, 8 : i32
    %sub3A_219 = arith.subi %get3A_187, %multiple_of3A_218 : i32
    %jit3A_220 = arith.constant 8 : i32
    %div3A_221 = arith.divsi %get3A_191, %jit3A_220 : i32
    %sign3A_222 = arith.constant 0 : i32
    %sign3A_223 = arith.cmpi sgt, %get3A_191, %sign3A_222 : i32
    %sign3A_224 = arith.extui %sign3A_223 : i1 to i32
    %sign3A_225 = arith.constant 0 : i32
    %sign3A_226 = arith.cmpi slt, %get3A_191, %sign3A_225 : i32
    %sign3A_227 = arith.extui %sign3A_226 : i1 to i32
    %sign3A_228 = arith.subi %sign3A_224, %sign3A_227 : i32
    %sign3A_229 = arith.constant 0 : i32
    %sign3A_230 = arith.cmpi sgt, %jit3A_220, %sign3A_229 : i32
    %sign3A_231 = arith.extui %sign3A_230 : i1 to i32
    %sign3A_232 = arith.constant 0 : i32
    %sign3A_233 = arith.cmpi slt, %jit3A_220, %sign3A_232 : i32
    %sign3A_234 = arith.extui %sign3A_233 : i1 to i32
    %sign3A_235 = arith.subi %sign3A_231, %sign3A_234 : i32
    %ne3A_236 = arith.cmpi ne, %sign3A_228, %sign3A_235 : i32
    %rem3A_237 = arith.remsi %get3A_191, %jit3A_220 : i32
    %ne3A_238 = arith.constant 0 : i32
    %ne3A_239 = arith.cmpi ne, %rem3A_237, %ne3A_238 : i32
    %and3A_240 = arith.andi %ne3A_236, %ne3A_239 : i1
    %sub3A_241 = arith.constant 1 : i32
    %sub3A_242 = arith.subi %div3A_221, %sub3A_241 : i32
    %select_n3A_243 = arith.select %and3A_240, %sub3A_242, %div3A_221 : i32
    %mul3A_244 = arith.constant 8 : i32
    %mul3A_245 = arith.muli %select_n3A_243, %mul3A_244 : i32
    %multiple_of3A_246 = tpu.assume_multiple %mul3A_245, 8 : i32
    %get3A_247 = arith.index_cast %multiple_of3A_218 : i32 to index
    %get3A_248 = arith.constant 0 : index
    %get3A_249 = vector.load %arg5[%get3A_247, %get3A_248] : memref<8320x512xf32, #tpu.memory_space<vmem>>, vector<128x512xf32>
    %get3A_250 = arith.index_cast %multiple_of3A_246 : i32 to index
    %get3A_251 = arith.constant 0 : index
    %get3A_252 = vector.load %arg5[%get3A_250, %get3A_251] : memref<8320x512xf32, #tpu.memory_space<vmem>>, vector<8x512xf32>
    %sub3A_253 = arith.subi %get3A_191, %multiple_of3A_246 : i32
    %eq3A_254 = vector.broadcast %sub3A_253 : i32 to vector<8x1xi32>
    %eq3A_255 = arith.cmpi eq, %iota3A_1, %eq3A_254 : vector<8x1xi32>
    %jit3A_256 = arith.constant 0.000000e+00 : f32
    %broadcast_in_dim3A_257 = vector.shape_cast %eq3A_255 : vector<8x1xi1> to vector<8x1xi1>
    %broadcast_in_dim3A_258 = vector.broadcast %broadcast_in_dim3A_257 : vector<8x1xi1> to vector<8x512xi1>
    %broadcast_in_dim3A_259 = vector.broadcast %jit3A_256 : f32 to vector<8x512xf32>
    %select_n3A_260 = arith.select %broadcast_in_dim3A_258, %get3A_252, %broadcast_in_dim3A_259 : vector<8x512xi1>, vector<8x512xf32>
    %reduce_sum3A_261 = arith.constant dense<0.000000e+00> : vector<512xf32>
    %reduce_sum3A_262 = vector.multi_reduction <add>, %select_n3A_260, %reduce_sum3A_261 [0] : vector<8x512xf32> to vector<512xf32>
    %broadcast_in_dim3A_263 = vector.shape_cast %reduce_sum3A_262 : vector<512xf32> to vector<1x512xf32>
    %add3A_264 = vector.broadcast %multiple_of3A_218 : i32 to vector<128x1xi32>
    %add3A_265 = arith.addi %add3A_264, %iota3A : vector<128x1xi32>
    %sub3A_266 = vector.broadcast %get3A_191 : i32 to vector<128x1xi32>
    %sub3A_267 = arith.subi %sub3A_266, %add3A_265 : vector<128x1xi32>
    %ge3A_268 = vector.broadcast %sub3A_219 : i32 to vector<128x1xi32>
    %ge3A_269 = arith.cmpi sge, %iota3A, %ge3A_268 : vector<128x1xi32>
    %add3A_270 = arith.addi %sub3A_219, %get3A_189 : i32
    %lt3A_271 = vector.broadcast %add3A_270 : i32 to vector<128x1xi32>
    %lt3A_272 = arith.cmpi slt, %iota3A, %lt3A_271 : vector<128x1xi32>
    %and3A_273 = arith.andi %ge3A_269, %lt3A_272 : vector<128x1xi1>
    %ge3A_274 = vector.broadcast %sub3A_219 : i32 to vector<128x1xi32>
    %ge3A_275 = arith.cmpi sge, %iota3A, %ge3A_274 : vector<128x1xi32>
    %add3A_276 = arith.addi %sub3A_219, %get3A_0 : i32
    %lt3A_277 = vector.broadcast %add3A_276 : i32 to vector<128x1xi32>
    %lt3A_278 = arith.cmpi slt, %iota3A, %lt3A_277 : vector<128x1xi32>
    %and3A_279 = arith.andi %ge3A_275, %lt3A_278 : vector<128x1xi1>
    %mul3A_280 = arith.constant 8 : i32
    %mul3A_281 = arith.muli %arg0, %mul3A_280 : i32
    %add3A_282 = arith.constant 3 : i32
    %add3A_283 = arith.addi %mul3A_281, %add3A_282 : i32
    %get3A_284 = arith.index_cast %add3A_283 : i32 to index
    %get3A_285 = memref.load %arg1[%get3A_284] : memref<1024xi32, #tpu.memory_space<smem>>
    %get3A_286 = arith.index_cast %add3A_283 : i32 to index
    %get3A_287 = memref.load %arg2[%get3A_286] : memref<1024xi32, #tpu.memory_space<smem>>
    %get3A_288 = arith.index_cast %add3A_283 : i32 to index
    %get3A_289 = memref.load %arg3[%get3A_288] : memref<1024xi32, #tpu.memory_space<smem>>
    %jit3A_290 = arith.constant 8 : i32
    %div3A_291 = arith.divsi %get3A_285, %jit3A_290 : i32
    %sign3A_292 = arith.constant 0 : i32
    %sign3A_293 = arith.cmpi sgt, %get3A_285, %sign3A_292 : i32
    %sign3A_294 = arith.extui %sign3A_293 : i1 to i32
    %sign3A_295 = arith.constant 0 : i32
    %sign3A_296 = arith.cmpi slt, %get3A_285, %sign3A_295 : i32
    %sign3A_297 = arith.extui %sign3A_296 : i1 to i32
    %sign3A_298 = arith.subi %sign3A_294, %sign3A_297 : i32
    %sign3A_299 = arith.constant 0 : i32
    %sign3A_300 = arith.cmpi sgt, %jit3A_290, %sign3A_299 : i32
    %sign3A_301 = arith.extui %sign3A_300 : i1 to i32
    %sign3A_302 = arith.constant 0 : i32
    %sign3A_303 = arith.cmpi slt, %jit3A_290, %sign3A_302 : i32
    %sign3A_304 = arith.extui %sign3A_303 : i1 to i32
    %sign3A_305 = arith.subi %sign3A_301, %sign3A_304 : i32
    %ne3A_306 = arith.cmpi ne, %sign3A_298, %sign3A_305 : i32
    %rem3A_307 = arith.remsi %get3A_285, %jit3A_290 : i32
    %ne3A_308 = arith.constant 0 : i32
    %ne3A_309 = arith.cmpi ne, %rem3A_307, %ne3A_308 : i32
    %and3A_310 = arith.andi %ne3A_306, %ne3A_309 : i1
    %sub3A_311 = arith.constant 1 : i32
    %sub3A_312 = arith.subi %div3A_291, %sub3A_311 : i32
    %select_n3A_313 = arith.select %and3A_310, %sub3A_312, %div3A_291 : i32
    %mul3A_314 = arith.constant 8 : i32
    %mul3A_315 = arith.muli %select_n3A_313, %mul3A_314 : i32
    %multiple_of3A_316 = tpu.assume_multiple %mul3A_315, 8 : i32
    %sub3A_317 = arith.subi %get3A_285, %multiple_of3A_316 : i32
    %jit3A_318 = arith.constant 8 : i32
    %div3A_319 = arith.divsi %get3A_289, %jit3A_318 : i32
    %sign3A_320 = arith.constant 0 : i32
    %sign3A_321 = arith.cmpi sgt, %get3A_289, %sign3A_320 : i32
    %sign3A_322 = arith.extui %sign3A_321 : i1 to i32
    %sign3A_323 = arith.constant 0 : i32
    %sign3A_324 = arith.cmpi slt, %get3A_289, %sign3A_323 : i32
    %sign3A_325 = arith.extui %sign3A_324 : i1 to i32
    %sign3A_326 = arith.subi %sign3A_322, %sign3A_325 : i32
    %sign3A_327 = arith.constant 0 : i32
    %sign3A_328 = arith.cmpi sgt, %jit3A_318, %sign3A_327 : i32
    %sign3A_329 = arith.extui %sign3A_328 : i1 to i32
    %sign3A_330 = arith.constant 0 : i32
    %sign3A_331 = arith.cmpi slt, %jit3A_318, %sign3A_330 : i32
    %sign3A_332 = arith.extui %sign3A_331 : i1 to i32
    %sign3A_333 = arith.subi %sign3A_329, %sign3A_332 : i32
    %ne3A_334 = arith.cmpi ne, %sign3A_326, %sign3A_333 : i32
    %rem3A_335 = arith.remsi %get3A_289, %jit3A_318 : i32
    %ne3A_336 = arith.constant 0 : i32
    %ne3A_337 = arith.cmpi ne, %rem3A_335, %ne3A_336 : i32
    %and3A_338 = arith.andi %ne3A_334, %ne3A_337 : i1
    %sub3A_339 = arith.constant 1 : i32
    %sub3A_340 = arith.subi %div3A_319, %sub3A_339 : i32
    %select_n3A_341 = arith.select %and3A_338, %sub3A_340, %div3A_319 : i32
    %mul3A_342 = arith.constant 8 : i32
    %mul3A_343 = arith.muli %select_n3A_341, %mul3A_342 : i32
    %multiple_of3A_344 = tpu.assume_multiple %mul3A_343, 8 : i32
    %get3A_345 = arith.index_cast %multiple_of3A_316 : i32 to index
    %get3A_346 = arith.constant 0 : index
    %get3A_347 = vector.load %arg5[%get3A_345, %get3A_346] : memref<8320x512xf32, #tpu.memory_space<vmem>>, vector<128x512xf32>
    %get3A_348 = arith.index_cast %multiple_of3A_344 : i32 to index
    %get3A_349 = arith.constant 0 : index
    %get3A_350 = vector.load %arg5[%get3A_348, %get3A_349] : memref<8320x512xf32, #tpu.memory_space<vmem>>, vector<8x512xf32>
    %sub3A_351 = arith.subi %get3A_289, %multiple_of3A_344 : i32
    %eq3A_352 = vector.broadcast %sub3A_351 : i32 to vector<8x1xi32>
    %eq3A_353 = arith.cmpi eq, %iota3A_1, %eq3A_352 : vector<8x1xi32>
    %jit3A_354 = arith.constant 0.000000e+00 : f32
    %broadcast_in_dim3A_355 = vector.shape_cast %eq3A_353 : vector<8x1xi1> to vector<8x1xi1>
    %broadcast_in_dim3A_356 = vector.broadcast %broadcast_in_dim3A_355 : vector<8x1xi1> to vector<8x512xi1>
    %broadcast_in_dim3A_357 = vector.broadcast %jit3A_354 : f32 to vector<8x512xf32>
    %select_n3A_358 = arith.select %broadcast_in_dim3A_356, %get3A_350, %broadcast_in_dim3A_357 : vector<8x512xi1>, vector<8x512xf32>
    %reduce_sum3A_359 = arith.constant dense<0.000000e+00> : vector<512xf32>
    %reduce_sum3A_360 = vector.multi_reduction <add>, %select_n3A_358, %reduce_sum3A_359 [0] : vector<8x512xf32> to vector<512xf32>
    %broadcast_in_dim3A_361 = vector.shape_cast %reduce_sum3A_360 : vector<512xf32> to vector<1x512xf32>
    %add3A_362 = vector.broadcast %multiple_of3A_316 : i32 to vector<128x1xi32>
    %add3A_363 = arith.addi %add3A_362, %iota3A : vector<128x1xi32>
    %sub3A_364 = vector.broadcast %get3A_289 : i32 to vector<128x1xi32>
    %sub3A_365 = arith.subi %sub3A_364, %add3A_363 : vector<128x1xi32>
    %ge3A_366 = vector.broadcast %sub3A_317 : i32 to vector<128x1xi32>
    %ge3A_367 = arith.cmpi sge, %iota3A, %ge3A_366 : vector<128x1xi32>
    %add3A_368 = arith.addi %sub3A_317, %get3A_287 : i32
    %lt3A_369 = vector.broadcast %add3A_368 : i32 to vector<128x1xi32>
    %lt3A_370 = arith.cmpi slt, %iota3A, %lt3A_369 : vector<128x1xi32>
    %and3A_371 = arith.andi %ge3A_367, %lt3A_370 : vector<128x1xi1>
    %ge3A_372 = vector.broadcast %sub3A_317 : i32 to vector<128x1xi32>
    %ge3A_373 = arith.cmpi sge, %iota3A, %ge3A_372 : vector<128x1xi32>
    %add3A_374 = arith.addi %sub3A_317, %get3A_0 : i32
    %lt3A_375 = vector.broadcast %add3A_374 : i32 to vector<128x1xi32>
    %lt3A_376 = arith.cmpi slt, %iota3A, %lt3A_375 : vector<128x1xi32>
    %and3A_377 = arith.andi %ge3A_373, %lt3A_376 : vector<128x1xi1>
    %mul3A_378 = arith.constant 8 : i32
    %mul3A_379 = arith.muli %arg0, %mul3A_378 : i32
    %add3A_380 = arith.constant 4 : i32
    %add3A_381 = arith.addi %mul3A_379, %add3A_380 : i32
    %get3A_382 = arith.index_cast %add3A_381 : i32 to index
    %get3A_383 = memref.load %arg1[%get3A_382] : memref<1024xi32, #tpu.memory_space<smem>>
    %get3A_384 = arith.index_cast %add3A_381 : i32 to index
    %get3A_385 = memref.load %arg2[%get3A_384] : memref<1024xi32, #tpu.memory_space<smem>>
    %get3A_386 = arith.index_cast %add3A_381 : i32 to index
    %get3A_387 = memref.load %arg3[%get3A_386] : memref<1024xi32, #tpu.memory_space<smem>>
    %jit3A_388 = arith.constant 8 : i32
    %div3A_389 = arith.divsi %get3A_383, %jit3A_388 : i32
    %sign3A_390 = arith.constant 0 : i32
    %sign3A_391 = arith.cmpi sgt, %get3A_383, %sign3A_390 : i32
    %sign3A_392 = arith.extui %sign3A_391 : i1 to i32
    %sign3A_393 = arith.constant 0 : i32
    %sign3A_394 = arith.cmpi slt, %get3A_383, %sign3A_393 : i32
    %sign3A_395 = arith.extui %sign3A_394 : i1 to i32
    %sign3A_396 = arith.subi %sign3A_392, %sign3A_395 : i32
    %sign3A_397 = arith.constant 0 : i32
    %sign3A_398 = arith.cmpi sgt, %jit3A_388, %sign3A_397 : i32
    %sign3A_399 = arith.extui %sign3A_398 : i1 to i32
    %sign3A_400 = arith.constant 0 : i32
    %sign3A_401 = arith.cmpi slt, %jit3A_388, %sign3A_400 : i32
    %sign3A_402 = arith.extui %sign3A_401 : i1 to i32
    %sign3A_403 = arith.subi %sign3A_399, %sign3A_402 : i32
    %ne3A_404 = arith.cmpi ne, %sign3A_396, %sign3A_403 : i32
    %rem3A_405 = arith.remsi %get3A_383, %jit3A_388 : i32
    %ne3A_406 = arith.constant 0 : i32
    %ne3A_407 = arith.cmpi ne, %rem3A_405, %ne3A_406 : i32
    %and3A_408 = arith.andi %ne3A_404, %ne3A_407 : i1
    %sub3A_409 = arith.constant 1 : i32
    %sub3A_410 = arith.subi %div3A_389, %sub3A_409 : i32
    %select_n3A_411 = arith.select %and3A_408, %sub3A_410, %div3A_389 : i32
    %mul3A_412 = arith.constant 8 : i32
    %mul3A_413 = arith.muli %select_n3A_411, %mul3A_412 : i32
    %multiple_of3A_414 = tpu.assume_multiple %mul3A_413, 8 : i32
    %sub3A_415 = arith.subi %get3A_383, %multiple_of3A_414 : i32
    %jit3A_416 = arith.constant 8 : i32
    %div3A_417 = arith.divsi %get3A_387, %jit3A_416 : i32
    %sign3A_418 = arith.constant 0 : i32
    %sign3A_419 = arith.cmpi sgt, %get3A_387, %sign3A_418 : i32
    %sign3A_420 = arith.extui %sign3A_419 : i1 to i32
    %sign3A_421 = arith.constant 0 : i32
    %sign3A_422 = arith.cmpi slt, %get3A_387, %sign3A_421 : i32
    %sign3A_423 = arith.extui %sign3A_422 : i1 to i32
    %sign3A_424 = arith.subi %sign3A_420, %sign3A_423 : i32
    %sign3A_425 = arith.constant 0 : i32
    %sign3A_426 = arith.cmpi sgt, %jit3A_416, %sign3A_425 : i32
    %sign3A_427 = arith.extui %sign3A_426 : i1 to i32
    %sign3A_428 = arith.constant 0 : i32
    %sign3A_429 = arith.cmpi slt, %jit3A_416, %sign3A_428 : i32
    %sign3A_430 = arith.extui %sign3A_429 : i1 to i32
    %sign3A_431 = arith.subi %sign3A_427, %sign3A_430 : i32
    %ne3A_432 = arith.cmpi ne, %sign3A_424, %sign3A_431 : i32
    %rem3A_433 = arith.remsi %get3A_387, %jit3A_416 : i32
    %ne3A_434 = arith.constant 0 : i32
    %ne3A_435 = arith.cmpi ne, %rem3A_433, %ne3A_434 : i32
    %and3A_436 = arith.andi %ne3A_432, %ne3A_435 : i1
    %sub3A_437 = arith.constant 1 : i32
    %sub3A_438 = arith.subi %div3A_417, %sub3A_437 : i32
    %select_n3A_439 = arith.select %and3A_436, %sub3A_438, %div3A_417 : i32
    %mul3A_440 = arith.constant 8 : i32
    %mul3A_441 = arith.muli %select_n3A_439, %mul3A_440 : i32
    %multiple_of3A_442 = tpu.assume_multiple %mul3A_441, 8 : i32
    %get3A_443 = arith.index_cast %multiple_of3A_414 : i32 to index
    %get3A_444 = arith.constant 0 : index
    %get3A_445 = vector.load %arg5[%get3A_443, %get3A_444] : memref<8320x512xf32, #tpu.memory_space<vmem>>, vector<128x512xf32>
    %get3A_446 = arith.index_cast %multiple_of3A_442 : i32 to index
    %get3A_447 = arith.constant 0 : index
    %get3A_448 = vector.load %arg5[%get3A_446, %get3A_447] : memref<8320x512xf32, #tpu.memory_space<vmem>>, vector<8x512xf32>
    %sub3A_449 = arith.subi %get3A_387, %multiple_of3A_442 : i32
    %eq3A_450 = vector.broadcast %sub3A_449 : i32 to vector<8x1xi32>
    %eq3A_451 = arith.cmpi eq, %iota3A_1, %eq3A_450 : vector<8x1xi32>
    %jit3A_452 = arith.constant 0.000000e+00 : f32
    %broadcast_in_dim3A_453 = vector.shape_cast %eq3A_451 : vector<8x1xi1> to vector<8x1xi1>
    %broadcast_in_dim3A_454 = vector.broadcast %broadcast_in_dim3A_453 : vector<8x1xi1> to vector<8x512xi1>
    %broadcast_in_dim3A_455 = vector.broadcast %jit3A_452 : f32 to vector<8x512xf32>
    %select_n3A_456 = arith.select %broadcast_in_dim3A_454, %get3A_448, %broadcast_in_dim3A_455 : vector<8x512xi1>, vector<8x512xf32>
    %reduce_sum3A_457 = arith.constant dense<0.000000e+00> : vector<512xf32>
    %reduce_sum3A_458 = vector.multi_reduction <add>, %select_n3A_456, %reduce_sum3A_457 [0] : vector<8x512xf32> to vector<512xf32>
    %broadcast_in_dim3A_459 = vector.shape_cast %reduce_sum3A_458 : vector<512xf32> to vector<1x512xf32>
    %add3A_460 = vector.broadcast %multiple_of3A_414 : i32 to vector<128x1xi32>
    %add3A_461 = arith.addi %add3A_460, %iota3A : vector<128x1xi32>
    %sub3A_462 = vector.broadcast %get3A_387 : i32 to vector<128x1xi32>
    %sub3A_463 = arith.subi %sub3A_462, %add3A_461 : vector<128x1xi32>
    %ge3A_464 = vector.broadcast %sub3A_415 : i32 to vector<128x1xi32>
    %ge3A_465 = arith.cmpi sge, %iota3A, %ge3A_464 : vector<128x1xi32>
    %add3A_466 = arith.addi %sub3A_415, %get3A_385 : i32
    %lt3A_467 = vector.broadcast %add3A_466 : i32 to vector<128x1xi32>
    %lt3A_468 = arith.cmpi slt, %iota3A, %lt3A_467 : vector<128x1xi32>
    %and3A_469 = arith.andi %ge3A_465, %lt3A_468 : vector<128x1xi1>
    %ge3A_470 = vector.broadcast %sub3A_415 : i32 to vector<128x1xi32>
    %ge3A_471 = arith.cmpi sge, %iota3A, %ge3A_470 : vector<128x1xi32>
    %add3A_472 = arith.addi %sub3A_415, %get3A_0 : i32
    %lt3A_473 = vector.broadcast %add3A_472 : i32 to vector<128x1xi32>
    %lt3A_474 = arith.cmpi slt, %iota3A, %lt3A_473 : vector<128x1xi32>
    %and3A_475 = arith.andi %ge3A_471, %lt3A_474 : vector<128x1xi1>
    %mul3A_476 = arith.constant 8 : i32
    %mul3A_477 = arith.muli %arg0, %mul3A_476 : i32
    %add3A_478 = arith.constant 5 : i32
    %add3A_479 = arith.addi %mul3A_477, %add3A_478 : i32
    %get3A_480 = arith.index_cast %add3A_479 : i32 to index
    %get3A_481 = memref.load %arg1[%get3A_480] : memref<1024xi32, #tpu.memory_space<smem>>
    %get3A_482 = arith.index_cast %add3A_479 : i32 to index
    %get3A_483 = memref.load %arg2[%get3A_482] : memref<1024xi32, #tpu.memory_space<smem>>
    %get3A_484 = arith.index_cast %add3A_479 : i32 to index
    %get3A_485 = memref.load %arg3[%get3A_484] : memref<1024xi32, #tpu.memory_space<smem>>
    %jit3A_486 = arith.constant 8 : i32
    %div3A_487 = arith.divsi %get3A_481, %jit3A_486 : i32
    %sign3A_488 = arith.constant 0 : i32
    %sign3A_489 = arith.cmpi sgt, %get3A_481, %sign3A_488 : i32
    %sign3A_490 = arith.extui %sign3A_489 : i1 to i32
    %sign3A_491 = arith.constant 0 : i32
    %sign3A_492 = arith.cmpi slt, %get3A_481, %sign3A_491 : i32
    %sign3A_493 = arith.extui %sign3A_492 : i1 to i32
    %sign3A_494 = arith.subi %sign3A_490, %sign3A_493 : i32
    %sign3A_495 = arith.constant 0 : i32
    %sign3A_496 = arith.cmpi sgt, %jit3A_486, %sign3A_495 : i32
    %sign3A_497 = arith.extui %sign3A_496 : i1 to i32
    %sign3A_498 = arith.constant 0 : i32
    %sign3A_499 = arith.cmpi slt, %jit3A_486, %sign3A_498 : i32
    %sign3A_500 = arith.extui %sign3A_499 : i1 to i32
    %sign3A_501 = arith.subi %sign3A_497, %sign3A_500 : i32
    %ne3A_502 = arith.cmpi ne, %sign3A_494, %sign3A_501 : i32
    %rem3A_503 = arith.remsi %get3A_481, %jit3A_486 : i32
    %ne3A_504 = arith.constant 0 : i32
    %ne3A_505 = arith.cmpi ne, %rem3A_503, %ne3A_504 : i32
    %and3A_506 = arith.andi %ne3A_502, %ne3A_505 : i1
    %sub3A_507 = arith.constant 1 : i32
    %sub3A_508 = arith.subi %div3A_487, %sub3A_507 : i32
    %select_n3A_509 = arith.select %and3A_506, %sub3A_508, %div3A_487 : i32
    %mul3A_510 = arith.constant 8 : i32
    %mul3A_511 = arith.muli %select_n3A_509, %mul3A_510 : i32
    %multiple_of3A_512 = tpu.assume_multiple %mul3A_511, 8 : i32
    %sub3A_513 = arith.subi %get3A_481, %multiple_of3A_512 : i32
    %jit3A_514 = arith.constant 8 : i32
    %div3A_515 = arith.divsi %get3A_485, %jit3A_514 : i32
    %sign3A_516 = arith.constant 0 : i32
    %sign3A_517 = arith.cmpi sgt, %get3A_485, %sign3A_516 : i32
    %sign3A_518 = arith.extui %sign3A_517 : i1 to i32
    %sign3A_519 = arith.constant 0 : i32
    %sign3A_520 = arith.cmpi slt, %get3A_485, %sign3A_519 : i32
    %sign3A_521 = arith.extui %sign3A_520 : i1 to i32
    %sign3A_522 = arith.subi %sign3A_518, %sign3A_521 : i32
    %sign3A_523 = arith.constant 0 : i32
    %sign3A_524 = arith.cmpi sgt, %jit3A_514, %sign3A_523 : i32
    %sign3A_525 = arith.extui %sign3A_524 : i1 to i32
    %sign3A_526 = arith.constant 0 : i32
    %sign3A_527 = arith.cmpi slt, %jit3A_514, %sign3A_526 : i32
    %sign3A_528 = arith.extui %sign3A_527 : i1 to i32
    %sign3A_529 = arith.subi %sign3A_525, %sign3A_528 : i32
    %ne3A_530 = arith.cmpi ne, %sign3A_522, %sign3A_529 : i32
    %rem3A_531 = arith.remsi %get3A_485, %jit3A_514 : i32
    %ne3A_532 = arith.constant 0 : i32
    %ne3A_533 = arith.cmpi ne, %rem3A_531, %ne3A_532 : i32
    %and3A_534 = arith.andi %ne3A_530, %ne3A_533 : i1
    %sub3A_535 = arith.constant 1 : i32
    %sub3A_536 = arith.subi %div3A_515, %sub3A_535 : i32
    %select_n3A_537 = arith.select %and3A_534, %sub3A_536, %div3A_515 : i32
    %mul3A_538 = arith.constant 8 : i32
    %mul3A_539 = arith.muli %select_n3A_537, %mul3A_538 : i32
    %multiple_of3A_540 = tpu.assume_multiple %mul3A_539, 8 : i32
    %get3A_541 = arith.index_cast %multiple_of3A_512 : i32 to index
    %get3A_542 = arith.constant 0 : index
    %get3A_543 = vector.load %arg5[%get3A_541, %get3A_542] : memref<8320x512xf32, #tpu.memory_space<vmem>>, vector<128x512xf32>
    %get3A_544 = arith.index_cast %multiple_of3A_540 : i32 to index
    %get3A_545 = arith.constant 0 : index
    %get3A_546 = vector.load %arg5[%get3A_544, %get3A_545] : memref<8320x512xf32, #tpu.memory_space<vmem>>, vector<8x512xf32>
    %sub3A_547 = arith.subi %get3A_485, %multiple_of3A_540 : i32
    %eq3A_548 = vector.broadcast %sub3A_547 : i32 to vector<8x1xi32>
    %eq3A_549 = arith.cmpi eq, %iota3A_1, %eq3A_548 : vector<8x1xi32>
    %jit3A_550 = arith.constant 0.000000e+00 : f32
    %broadcast_in_dim3A_551 = vector.shape_cast %eq3A_549 : vector<8x1xi1> to vector<8x1xi1>
    %broadcast_in_dim3A_552 = vector.broadcast %broadcast_in_dim3A_551 : vector<8x1xi1> to vector<8x512xi1>
    %broadcast_in_dim3A_553 = vector.broadcast %jit3A_550 : f32 to vector<8x512xf32>
    %select_n3A_554 = arith.select %broadcast_in_dim3A_552, %get3A_546, %broadcast_in_dim3A_553 : vector<8x512xi1>, vector<8x512xf32>
    %reduce_sum3A_555 = arith.constant dense<0.000000e+00> : vector<512xf32>
    %reduce_sum3A_556 = vector.multi_reduction <add>, %select_n3A_554, %reduce_sum3A_555 [0] : vector<8x512xf32> to vector<512xf32>
    %broadcast_in_dim3A_557 = vector.shape_cast %reduce_sum3A_556 : vector<512xf32> to vector<1x512xf32>
    %add3A_558 = vector.broadcast %multiple_of3A_512 : i32 to vector<128x1xi32>
    %add3A_559 = arith.addi %add3A_558, %iota3A : vector<128x1xi32>
    %sub3A_560 = vector.broadcast %get3A_485 : i32 to vector<128x1xi32>
    %sub3A_561 = arith.subi %sub3A_560, %add3A_559 : vector<128x1xi32>
    %ge3A_562 = vector.broadcast %sub3A_513 : i32 to vector<128x1xi32>
    %ge3A_563 = arith.cmpi sge, %iota3A, %ge3A_562 : vector<128x1xi32>
    %add3A_564 = arith.addi %sub3A_513, %get3A_483 : i32
    %lt3A_565 = vector.broadcast %add3A_564 : i32 to vector<128x1xi32>
    %lt3A_566 = arith.cmpi slt, %iota3A, %lt3A_565 : vector<128x1xi32>
    %and3A_567 = arith.andi %ge3A_563, %lt3A_566 : vector<128x1xi1>
    %ge3A_568 = vector.broadcast %sub3A_513 : i32 to vector<128x1xi32>
    %ge3A_569 = arith.cmpi sge, %iota3A, %ge3A_568 : vector<128x1xi32>
    %add3A_570 = arith.addi %sub3A_513, %get3A_0 : i32
    %lt3A_571 = vector.broadcast %add3A_570 : i32 to vector<128x1xi32>
    %lt3A_572 = arith.cmpi slt, %iota3A, %lt3A_571 : vector<128x1xi32>
    %and3A_573 = arith.andi %ge3A_569, %lt3A_572 : vector<128x1xi1>
    %mul3A_574 = arith.constant 8 : i32
    %mul3A_575 = arith.muli %arg0, %mul3A_574 : i32
    %add3A_576 = arith.constant 6 : i32
    %add3A_577 = arith.addi %mul3A_575, %add3A_576 : i32
    %get3A_578 = arith.index_cast %add3A_577 : i32 to index
    %get3A_579 = memref.load %arg1[%get3A_578] : memref<1024xi32, #tpu.memory_space<smem>>
    %get3A_580 = arith.index_cast %add3A_577 : i32 to index
    %get3A_581 = memref.load %arg2[%get3A_580] : memref<1024xi32, #tpu.memory_space<smem>>
    %get3A_582 = arith.index_cast %add3A_577 : i32 to index
    %get3A_583 = memref.load %arg3[%get3A_582] : memref<1024xi32, #tpu.memory_space<smem>>
    %jit3A_584 = arith.constant 8 : i32
    %div3A_585 = arith.divsi %get3A_579, %jit3A_584 : i32
    %sign3A_586 = arith.constant 0 : i32
    %sign3A_587 = arith.cmpi sgt, %get3A_579, %sign3A_586 : i32
    %sign3A_588 = arith.extui %sign3A_587 : i1 to i32
    %sign3A_589 = arith.constant 0 : i32
    %sign3A_590 = arith.cmpi slt, %get3A_579, %sign3A_589 : i32
    %sign3A_591 = arith.extui %sign3A_590 : i1 to i32
    %sign3A_592 = arith.subi %sign3A_588, %sign3A_591 : i32
    %sign3A_593 = arith.constant 0 : i32
    %sign3A_594 = arith.cmpi sgt, %jit3A_584, %sign3A_593 : i32
    %sign3A_595 = arith.extui %sign3A_594 : i1 to i32
    %sign3A_596 = arith.constant 0 : i32
    %sign3A_597 = arith.cmpi slt, %jit3A_584, %sign3A_596 : i32
    %sign3A_598 = arith.extui %sign3A_597 : i1 to i32
    %sign3A_599 = arith.subi %sign3A_595, %sign3A_598 : i32
    %ne3A_600 = arith.cmpi ne, %sign3A_592, %sign3A_599 : i32
    %rem3A_601 = arith.remsi %get3A_579, %jit3A_584 : i32
    %ne3A_602 = arith.constant 0 : i32
    %ne3A_603 = arith.cmpi ne, %rem3A_601, %ne3A_602 : i32
    %and3A_604 = arith.andi %ne3A_600, %ne3A_603 : i1
    %sub3A_605 = arith.constant 1 : i32
    %sub3A_606 = arith.subi %div3A_585, %sub3A_605 : i32
    %select_n3A_607 = arith.select %and3A_604, %sub3A_606, %div3A_585 : i32
    %mul3A_608 = arith.constant 8 : i32
    %mul3A_609 = arith.muli %select_n3A_607, %mul3A_608 : i32
    %multiple_of3A_610 = tpu.assume_multiple %mul3A_609, 8 : i32
    %sub3A_611 = arith.subi %get3A_579, %multiple_of3A_610 : i32
    %jit3A_612 = arith.constant 8 : i32
    %div3A_613 = arith.divsi %get3A_583, %jit3A_612 : i32
    %sign3A_614 = arith.constant 0 : i32
    %sign3A_615 = arith.cmpi sgt, %get3A_583, %sign3A_614 : i32
    %sign3A_616 = arith.extui %sign3A_615 : i1 to i32
    %sign3A_617 = arith.constant 0 : i32
    %sign3A_618 = arith.cmpi slt, %get3A_583, %sign3A_617 : i32
    %sign3A_619 = arith.extui %sign3A_618 : i1 to i32
    %sign3A_620 = arith.subi %sign3A_616, %sign3A_619 : i32
    %sign3A_621 = arith.constant 0 : i32
    %sign3A_622 = arith.cmpi sgt, %jit3A_612, %sign3A_621 : i32
    %sign3A_623 = arith.extui %sign3A_622 : i1 to i32
    %sign3A_624 = arith.constant 0 : i32
    %sign3A_625 = arith.cmpi slt, %jit3A_612, %sign3A_624 : i32
    %sign3A_626 = arith.extui %sign3A_625 : i1 to i32
    %sign3A_627 = arith.subi %sign3A_623, %sign3A_626 : i32
    %ne3A_628 = arith.cmpi ne, %sign3A_620, %sign3A_627 : i32
    %rem3A_629 = arith.remsi %get3A_583, %jit3A_612 : i32
    %ne3A_630 = arith.constant 0 : i32
    %ne3A_631 = arith.cmpi ne, %rem3A_629, %ne3A_630 : i32
    %and3A_632 = arith.andi %ne3A_628, %ne3A_631 : i1
    %sub3A_633 = arith.constant 1 : i32
    %sub3A_634 = arith.subi %div3A_613, %sub3A_633 : i32
    %select_n3A_635 = arith.select %and3A_632, %sub3A_634, %div3A_613 : i32
    %mul3A_636 = arith.constant 8 : i32
    %mul3A_637 = arith.muli %select_n3A_635, %mul3A_636 : i32
    %multiple_of3A_638 = tpu.assume_multiple %mul3A_637, 8 : i32
    %get3A_639 = arith.index_cast %multiple_of3A_610 : i32 to index
    %get3A_640 = arith.constant 0 : index
    %get3A_641 = vector.load %arg5[%get3A_639, %get3A_640] : memref<8320x512xf32, #tpu.memory_space<vmem>>, vector<128x512xf32>
    %get3A_642 = arith.index_cast %multiple_of3A_638 : i32 to index
    %get3A_643 = arith.constant 0 : index
    %get3A_644 = vector.load %arg5[%get3A_642, %get3A_643] : memref<8320x512xf32, #tpu.memory_space<vmem>>, vector<8x512xf32>
    %sub3A_645 = arith.subi %get3A_583, %multiple_of3A_638 : i32
    %eq3A_646 = vector.broadcast %sub3A_645 : i32 to vector<8x1xi32>
    %eq3A_647 = arith.cmpi eq, %iota3A_1, %eq3A_646 : vector<8x1xi32>
    %jit3A_648 = arith.constant 0.000000e+00 : f32
    %broadcast_in_dim3A_649 = vector.shape_cast %eq3A_647 : vector<8x1xi1> to vector<8x1xi1>
    %broadcast_in_dim3A_650 = vector.broadcast %broadcast_in_dim3A_649 : vector<8x1xi1> to vector<8x512xi1>
    %broadcast_in_dim3A_651 = vector.broadcast %jit3A_648 : f32 to vector<8x512xf32>
    %select_n3A_652 = arith.select %broadcast_in_dim3A_650, %get3A_644, %broadcast_in_dim3A_651 : vector<8x512xi1>, vector<8x512xf32>
    %reduce_sum3A_653 = arith.constant dense<0.000000e+00> : vector<512xf32>
    %reduce_sum3A_654 = vector.multi_reduction <add>, %select_n3A_652, %reduce_sum3A_653 [0] : vector<8x512xf32> to vector<512xf32>
    %broadcast_in_dim3A_655 = vector.shape_cast %reduce_sum3A_654 : vector<512xf32> to vector<1x512xf32>
    %add3A_656 = vector.broadcast %multiple_of3A_610 : i32 to vector<128x1xi32>
    %add3A_657 = arith.addi %add3A_656, %iota3A : vector<128x1xi32>
    %sub3A_658 = vector.broadcast %get3A_583 : i32 to vector<128x1xi32>
    %sub3A_659 = arith.subi %sub3A_658, %add3A_657 : vector<128x1xi32>
    %ge3A_660 = vector.broadcast %sub3A_611 : i32 to vector<128x1xi32>
    %ge3A_661 = arith.cmpi sge, %iota3A, %ge3A_660 : vector<128x1xi32>
    %add3A_662 = arith.addi %sub3A_611, %get3A_581 : i32
    %lt3A_663 = vector.broadcast %add3A_662 : i32 to vector<128x1xi32>
    %lt3A_664 = arith.cmpi slt, %iota3A, %lt3A_663 : vector<128x1xi32>
    %and3A_665 = arith.andi %ge3A_661, %lt3A_664 : vector<128x1xi1>
    %ge3A_666 = vector.broadcast %sub3A_611 : i32 to vector<128x1xi32>
    %ge3A_667 = arith.cmpi sge, %iota3A, %ge3A_666 : vector<128x1xi32>
    %add3A_668 = arith.addi %sub3A_611, %get3A_0 : i32
    %lt3A_669 = vector.broadcast %add3A_668 : i32 to vector<128x1xi32>
    %lt3A_670 = arith.cmpi slt, %iota3A, %lt3A_669 : vector<128x1xi32>
    %and3A_671 = arith.andi %ge3A_667, %lt3A_670 : vector<128x1xi1>
    %mul3A_672 = arith.constant 8 : i32
    %mul3A_673 = arith.muli %arg0, %mul3A_672 : i32
    %add3A_674 = arith.constant 7 : i32
    %add3A_675 = arith.addi %mul3A_673, %add3A_674 : i32
    %get3A_676 = arith.index_cast %add3A_675 : i32 to index
    %get3A_677 = memref.load %arg1[%get3A_676] : memref<1024xi32, #tpu.memory_space<smem>>
    %get3A_678 = arith.index_cast %add3A_675 : i32 to index
    %get3A_679 = memref.load %arg2[%get3A_678] : memref<1024xi32, #tpu.memory_space<smem>>
    %get3A_680 = arith.index_cast %add3A_675 : i32 to index
    %get3A_681 = memref.load %arg3[%get3A_680] : memref<1024xi32, #tpu.memory_space<smem>>
    %jit3A_682 = arith.constant 8 : i32
    %div3A_683 = arith.divsi %get3A_677, %jit3A_682 : i32
    %sign3A_684 = arith.constant 0 : i32
    %sign3A_685 = arith.cmpi sgt, %get3A_677, %sign3A_684 : i32
    %sign3A_686 = arith.extui %sign3A_685 : i1 to i32
    %sign3A_687 = arith.constant 0 : i32
    %sign3A_688 = arith.cmpi slt, %get3A_677, %sign3A_687 : i32
    %sign3A_689 = arith.extui %sign3A_688 : i1 to i32
    %sign3A_690 = arith.subi %sign3A_686, %sign3A_689 : i32
    %sign3A_691 = arith.constant 0 : i32
    %sign3A_692 = arith.cmpi sgt, %jit3A_682, %sign3A_691 : i32
    %sign3A_693 = arith.extui %sign3A_692 : i1 to i32
    %sign3A_694 = arith.constant 0 : i32
    %sign3A_695 = arith.cmpi slt, %jit3A_682, %sign3A_694 : i32
    %sign3A_696 = arith.extui %sign3A_695 : i1 to i32
    %sign3A_697 = arith.subi %sign3A_693, %sign3A_696 : i32
    %ne3A_698 = arith.cmpi ne, %sign3A_690, %sign3A_697 : i32
    %rem3A_699 = arith.remsi %get3A_677, %jit3A_682 : i32
    %ne3A_700 = arith.constant 0 : i32
    %ne3A_701 = arith.cmpi ne, %rem3A_699, %ne3A_700 : i32
    %and3A_702 = arith.andi %ne3A_698, %ne3A_701 : i1
    %sub3A_703 = arith.constant 1 : i32
    %sub3A_704 = arith.subi %div3A_683, %sub3A_703 : i32
    %select_n3A_705 = arith.select %and3A_702, %sub3A_704, %div3A_683 : i32
    %mul3A_706 = arith.constant 8 : i32
    %mul3A_707 = arith.muli %select_n3A_705, %mul3A_706 : i32
    %multiple_of3A_708 = tpu.assume_multiple %mul3A_707, 8 : i32
    %sub3A_709 = arith.subi %get3A_677, %multiple_of3A_708 : i32
    %jit3A_710 = arith.constant 8 : i32
    %div3A_711 = arith.divsi %get3A_681, %jit3A_710 : i32
    %sign3A_712 = arith.constant 0 : i32
    %sign3A_713 = arith.cmpi sgt, %get3A_681, %sign3A_712 : i32
    %sign3A_714 = arith.extui %sign3A_713 : i1 to i32
    %sign3A_715 = arith.constant 0 : i32
    %sign3A_716 = arith.cmpi slt, %get3A_681, %sign3A_715 : i32
    %sign3A_717 = arith.extui %sign3A_716 : i1 to i32
    %sign3A_718 = arith.subi %sign3A_714, %sign3A_717 : i32
    %sign3A_719 = arith.constant 0 : i32
    %sign3A_720 = arith.cmpi sgt, %jit3A_710, %sign3A_719 : i32
    %sign3A_721 = arith.extui %sign3A_720 : i1 to i32
    %sign3A_722 = arith.constant 0 : i32
    %sign3A_723 = arith.cmpi slt, %jit3A_710, %sign3A_722 : i32
    %sign3A_724 = arith.extui %sign3A_723 : i1 to i32
    %sign3A_725 = arith.subi %sign3A_721, %sign3A_724 : i32
    %ne3A_726 = arith.cmpi ne, %sign3A_718, %sign3A_725 : i32
    %rem3A_727 = arith.remsi %get3A_681, %jit3A_710 : i32
    %ne3A_728 = arith.constant 0 : i32
    %ne3A_729 = arith.cmpi ne, %rem3A_727, %ne3A_728 : i32
    %and3A_730 = arith.andi %ne3A_726, %ne3A_729 : i1
    %sub3A_731 = arith.constant 1 : i32
    %sub3A_732 = arith.subi %div3A_711, %sub3A_731 : i32
    %select_n3A_733 = arith.select %and3A_730, %sub3A_732, %div3A_711 : i32
    %mul3A_734 = arith.constant 8 : i32
    %mul3A_735 = arith.muli %select_n3A_733, %mul3A_734 : i32
    %multiple_of3A_736 = tpu.assume_multiple %mul3A_735, 8 : i32
    %get3A_737 = arith.index_cast %multiple_of3A_708 : i32 to index
    %get3A_738 = arith.constant 0 : index
    %get3A_739 = vector.load %arg5[%get3A_737, %get3A_738] : memref<8320x512xf32, #tpu.memory_space<vmem>>, vector<128x512xf32>
    %get3A_740 = arith.index_cast %multiple_of3A_736 : i32 to index
    %get3A_741 = arith.constant 0 : index
    %get3A_742 = vector.load %arg5[%get3A_740, %get3A_741] : memref<8320x512xf32, #tpu.memory_space<vmem>>, vector<8x512xf32>
    %sub3A_743 = arith.subi %get3A_681, %multiple_of3A_736 : i32
    %eq3A_744 = vector.broadcast %sub3A_743 : i32 to vector<8x1xi32>
    %eq3A_745 = arith.cmpi eq, %iota3A_1, %eq3A_744 : vector<8x1xi32>
    %jit3A_746 = arith.constant 0.000000e+00 : f32
    %broadcast_in_dim3A_747 = vector.shape_cast %eq3A_745 : vector<8x1xi1> to vector<8x1xi1>
    %broadcast_in_dim3A_748 = vector.broadcast %broadcast_in_dim3A_747 : vector<8x1xi1> to vector<8x512xi1>
    %broadcast_in_dim3A_749 = vector.broadcast %jit3A_746 : f32 to vector<8x512xf32>
    %select_n3A_750 = arith.select %broadcast_in_dim3A_748, %get3A_742, %broadcast_in_dim3A_749 : vector<8x512xi1>, vector<8x512xf32>
    %reduce_sum3A_751 = arith.constant dense<0.000000e+00> : vector<512xf32>
    %reduce_sum3A_752 = vector.multi_reduction <add>, %select_n3A_750, %reduce_sum3A_751 [0] : vector<8x512xf32> to vector<512xf32>
    %broadcast_in_dim3A_753 = vector.shape_cast %reduce_sum3A_752 : vector<512xf32> to vector<1x512xf32>
    %add3A_754 = vector.broadcast %multiple_of3A_708 : i32 to vector<128x1xi32>
    %add3A_755 = arith.addi %add3A_754, %iota3A : vector<128x1xi32>
    %sub3A_756 = vector.broadcast %get3A_681 : i32 to vector<128x1xi32>
    %sub3A_757 = arith.subi %sub3A_756, %add3A_755 : vector<128x1xi32>
    %ge3A_758 = vector.broadcast %sub3A_709 : i32 to vector<128x1xi32>
    %ge3A_759 = arith.cmpi sge, %iota3A, %ge3A_758 : vector<128x1xi32>
    %add3A_760 = arith.addi %sub3A_709, %get3A_679 : i32
    %lt3A_761 = vector.broadcast %add3A_760 : i32 to vector<128x1xi32>
    %lt3A_762 = arith.cmpi slt, %iota3A, %lt3A_761 : vector<128x1xi32>
    %and3A_763 = arith.andi %ge3A_759, %lt3A_762 : vector<128x1xi1>
    %ge3A_764 = vector.broadcast %sub3A_709 : i32 to vector<128x1xi32>
    %ge3A_765 = arith.cmpi sge, %iota3A, %ge3A_764 : vector<128x1xi32>
    %add3A_766 = arith.addi %sub3A_709, %get3A_0 : i32
    %lt3A_767 = vector.broadcast %add3A_766 : i32 to vector<128x1xi32>
    %lt3A_768 = arith.cmpi slt, %iota3A, %lt3A_767 : vector<128x1xi32>
    %and3A_769 = arith.andi %ge3A_765, %lt3A_768 : vector<128x1xi1>
    %concatenate3A = tpu.concatenate %get3A_58, %get3A_151, %get3A_249, %get3A_347, %get3A_445, %get3A_543, %get3A_641, %get3A_739 in 0 : vector<128x512xf32>, vector<128x512xf32>, vector<128x512xf32>, vector<128x512xf32>, vector<128x512xf32>, vector<128x512xf32>, vector<128x512xf32>, vector<128x512xf32> -> vector<1024x512xf32>
    %concatenate3A_770 = tpu.concatenate %sub3A_73, %sub3A_169, %sub3A_267, %sub3A_365, %sub3A_463, %sub3A_561, %sub3A_659, %sub3A_757 in 0 : vector<128x1xi32>, vector<128x1xi32>, vector<128x1xi32>, vector<128x1xi32>, vector<128x1xi32>, vector<128x1xi32>, vector<128x1xi32>, vector<128x1xi32> -> vector<1024x1xi32>
    %concatenate3A_771 = tpu.concatenate %and3A_77, %and3A_175, %and3A_273, %and3A_371, %and3A_469, %and3A_567, %and3A_665, %and3A_763 in 0 : vector<128x1xi1>, vector<128x1xi1>, vector<128x1xi1>, vector<128x1xi1>, vector<128x1xi1>, vector<128x1xi1>, vector<128x1xi1>, vector<128x1xi1> -> vector<1024x1xi1>
    %concatenate3A_772 = tpu.concatenate %and3A_83, %and3A_181, %and3A_279, %and3A_377, %and3A_475, %and3A_573, %and3A_671, %and3A_769 in 0 : vector<128x1xi1>, vector<128x1xi1>, vector<128x1xi1>, vector<128x1xi1>, vector<128x1xi1>, vector<128x1xi1>, vector<128x1xi1>, vector<128x1xi1> -> vector<1024x1xi1>
    %concatenate3A_773 = tpu.concatenate %broadcast_in_dim3A_69, %broadcast_in_dim3A_165, %broadcast_in_dim3A_263, %broadcast_in_dim3A_361, %broadcast_in_dim3A_459, %broadcast_in_dim3A_557, %broadcast_in_dim3A_655, %broadcast_in_dim3A_753 in 0 : vector<1x512xf32>, vector<1x512xf32>, vector<1x512xf32>, vector<1x512xf32>, vector<1x512xf32>, vector<1x512xf32>, vector<1x512xf32>, vector<1x512xf32> -> vector<8x512xf32>
    %get3A_774 = arith.constant 0 : index
    %get3A_775 = arith.constant 0 : index
    %get3A_776 = vector.load %arg7[%get3A_774, %get3A_775] : memref<512x512xf32, #tpu.memory_space<vmem>>, vector<512x512xf32>
    %dot_general3A = arith.constant dense<0.000000e+00> : vector<8x512xf32>
    %dot_general3A_777 = tpu.matmul %concatenate3A_773, %get3A_776, %dot_general3A {dimension_numbers = #tpu.dot_dimension_numbers<[1], [0], [0], [1], [0, 0, 1, 1], [], []>, transpose_lhs_hint = false} : vector<8x512xf32>, vector<512x512xf32>, vector<8x512xf32> -> vector<8x512xf32>
    %slice3A = vector.extract_strided_slice %dot_general3A_777 {offsets = [0, 0], sizes = [1, 512], strides = [1, 1]} : vector<8x512xf32> to vector<1x512xf32>
    %broadcast_in_dim3A_778 = vector.shape_cast %slice3A : vector<1x512xf32> to vector<1x512xf32>
    %broadcast_in_dim3A_779 = vector.broadcast %broadcast_in_dim3A_778 : vector<1x512xf32> to vector<128x512xf32>
    %slice3A_780 = vector.extract_strided_slice %dot_general3A_777 {offsets = [1, 0], sizes = [1, 512], strides = [1, 1]} : vector<8x512xf32> to vector<1x512xf32>
    %broadcast_in_dim3A_781 = vector.shape_cast %slice3A_780 : vector<1x512xf32> to vector<1x512xf32>
    %broadcast_in_dim3A_782 = vector.broadcast %broadcast_in_dim3A_781 : vector<1x512xf32> to vector<128x512xf32>
    %slice3A_783 = vector.extract_strided_slice %dot_general3A_777 {offsets = [2, 0], sizes = [1, 512], strides = [1, 1]} : vector<8x512xf32> to vector<1x512xf32>
    %broadcast_in_dim3A_784 = vector.shape_cast %slice3A_783 : vector<1x512xf32> to vector<1x512xf32>
    %broadcast_in_dim3A_785 = vector.broadcast %broadcast_in_dim3A_784 : vector<1x512xf32> to vector<128x512xf32>
    %slice3A_786 = vector.extract_strided_slice %dot_general3A_777 {offsets = [3, 0], sizes = [1, 512], strides = [1, 1]} : vector<8x512xf32> to vector<1x512xf32>
    %broadcast_in_dim3A_787 = vector.shape_cast %slice3A_786 : vector<1x512xf32> to vector<1x512xf32>
    %broadcast_in_dim3A_788 = vector.broadcast %broadcast_in_dim3A_787 : vector<1x512xf32> to vector<128x512xf32>
    %slice3A_789 = vector.extract_strided_slice %dot_general3A_777 {offsets = [4, 0], sizes = [1, 512], strides = [1, 1]} : vector<8x512xf32> to vector<1x512xf32>
    %broadcast_in_dim3A_790 = vector.shape_cast %slice3A_789 : vector<1x512xf32> to vector<1x512xf32>
    %broadcast_in_dim3A_791 = vector.broadcast %broadcast_in_dim3A_790 : vector<1x512xf32> to vector<128x512xf32>
    %slice3A_792 = vector.extract_strided_slice %dot_general3A_777 {offsets = [5, 0], sizes = [1, 512], strides = [1, 1]} : vector<8x512xf32> to vector<1x512xf32>
    %broadcast_in_dim3A_793 = vector.shape_cast %slice3A_792 : vector<1x512xf32> to vector<1x512xf32>
    %broadcast_in_dim3A_794 = vector.broadcast %broadcast_in_dim3A_793 : vector<1x512xf32> to vector<128x512xf32>
    %slice3A_795 = vector.extract_strided_slice %dot_general3A_777 {offsets = [6, 0], sizes = [1, 512], strides = [1, 1]} : vector<8x512xf32> to vector<1x512xf32>
    %broadcast_in_dim3A_796 = vector.shape_cast %slice3A_795 : vector<1x512xf32> to vector<1x512xf32>
    %broadcast_in_dim3A_797 = vector.broadcast %broadcast_in_dim3A_796 : vector<1x512xf32> to vector<128x512xf32>
    %slice3A_798 = vector.extract_strided_slice %dot_general3A_777 {offsets = [7, 0], sizes = [1, 512], strides = [1, 1]} : vector<8x512xf32> to vector<1x512xf32>
    %broadcast_in_dim3A_799 = vector.shape_cast %slice3A_798 : vector<1x512xf32> to vector<1x512xf32>
    %broadcast_in_dim3A_800 = vector.broadcast %broadcast_in_dim3A_799 : vector<1x512xf32> to vector<128x512xf32>
    %concatenate3A_801 = tpu.concatenate %broadcast_in_dim3A_779, %broadcast_in_dim3A_782, %broadcast_in_dim3A_785, %broadcast_in_dim3A_788, %broadcast_in_dim3A_791, %broadcast_in_dim3A_794, %broadcast_in_dim3A_797, %broadcast_in_dim3A_800 in 0 : vector<128x512xf32>, vector<128x512xf32>, vector<128x512xf32>, vector<128x512xf32>, vector<128x512xf32>, vector<128x512xf32>, vector<128x512xf32>, vector<128x512xf32> -> vector<1024x512xf32>
    %add3A_802 = arith.constant 63 : i32
    %add3A_803 = vector.broadcast %add3A_802 : i32 to vector<1024x1xi32>
    %add3A_804 = arith.addi %concatenate3A_770, %add3A_803 : vector<1024x1xi32>
    %lt3A_805 = arith.constant 0 : i32
    %lt3A_806 = vector.broadcast %lt3A_805 : i32 to vector<1024x1xi32>
    %lt3A_807 = arith.cmpi slt, %add3A_804, %lt3A_806 : vector<1024x1xi32>
    %gt3A = arith.constant 126 : i32
    %gt3A_808 = vector.broadcast %gt3A : i32 to vector<1024x1xi32>
    %gt3A_809 = arith.cmpi sgt, %add3A_804, %gt3A_808 : vector<1024x1xi32>
    %or3A = arith.ori %lt3A_807, %gt3A_809 : vector<1024x1xi1>
    %jit3A_810 = arith.constant 127 : i32
    %broadcast_in_dim3A_811 = vector.broadcast %jit3A_810 : i32 to vector<1024x1xi32>
    %select_n3A_812 = arith.select %or3A, %broadcast_in_dim3A_811, %add3A_804 : vector<1024x1xi1>, vector<1024x1xi32>
    %iota3A_813 = tpu.iota {dimensions = array<i32: 1>} : vector<1024x128xi32>
    %eq3A_814 = vector.broadcast %select_n3A_812 : vector<1024x1xi32> to vector<1024x128xi32>
    %eq3A_815 = arith.cmpi eq, %iota3A_813, %eq3A_814 : vector<1024x128xi32>
    %convert_element_type3A = arith.extui %eq3A_815 : vector<1024x128xi1> to vector<1024x128xi32>
    %convert_element_type3A_816 = arith.sitofp %convert_element_type3A : vector<1024x128xi32> to vector<1024x128xf32>
    %get3A_817 = arith.constant 0 : index
    %get3A_818 = arith.constant 0 : index
    %get3A_819 = vector.load %arg6[%get3A_817, %get3A_818] : memref<128x64xf32, #tpu.memory_space<vmem>>, vector<128x64xf32>
    %dot_general3A_820 = arith.constant dense<0.000000e+00> : vector<1024x64xf32>
    %dot_general3A_821 = tpu.matmul %convert_element_type3A_816, %get3A_819, %dot_general3A_820 {dimension_numbers = #tpu.dot_dimension_numbers<[1], [0], [0], [1], [0, 0, 1, 1], [], []>, transpose_lhs_hint = false} : vector<1024x128xf32>, vector<128x64xf32>, vector<1024x64xf32> -> vector<1024x64xf32>
    %get3A_822 = arith.constant 0 : index
    %get3A_823 = arith.constant 0 : index
    %get3A_824 = vector.load %arg8[%get3A_822, %get3A_823] : memref<512x512xf32, #tpu.memory_space<vmem>>, vector<512x512xf32>
    %dot_general3A_825 = arith.constant dense<0.000000e+00> : vector<1024x512xf32>
    %dot_general3A_826 = tpu.matmul %concatenate3A, %get3A_824, %dot_general3A_825 {dimension_numbers = #tpu.dot_dimension_numbers<[1], [0], [0], [1], [0, 0, 1, 1], [], []>, transpose_lhs_hint = false} : vector<1024x512xf32>, vector<512x512xf32>, vector<1024x512xf32> -> vector<1024x512xf32>
    %get3A_827 = arith.constant 0 : index
    %get3A_828 = arith.constant 0 : index
    %get3A_829 = vector.load %arg9[%get3A_827, %get3A_828] : memref<64x512xf32, #tpu.memory_space<vmem>>, vector<64x512xf32>
    %dot_general3A_830 = arith.constant dense<0.000000e+00> : vector<1024x512xf32>
    %dot_general3A_831 = tpu.matmul %dot_general3A_821, %get3A_829, %dot_general3A_830 {dimension_numbers = #tpu.dot_dimension_numbers<[1], [0], [0], [1], [0, 0, 1, 1], [], []>, transpose_lhs_hint = false} : vector<1024x64xf32>, vector<64x512xf32>, vector<1024x512xf32> -> vector<1024x512xf32>
    %add3A_832 = arith.addf %dot_general3A_826, %dot_general3A_831 : vector<1024x512xf32>
    %add3A_833 = arith.addf %add3A_832, %concatenate3A_801 : vector<1024x512xf32>
    %jit3A_834 = arith.constant 0.000000e+00 : f32
    %broadcast_in_dim3A_835 = vector.shape_cast %concatenate3A_771 : vector<1024x1xi1> to vector<1024x1xi1>
    %broadcast_in_dim3A_836 = vector.broadcast %broadcast_in_dim3A_835 : vector<1024x1xi1> to vector<1024x512xi1>
    %broadcast_in_dim3A_837 = vector.broadcast %jit3A_834 : f32 to vector<1024x512xf32>
    %select_n3A_838 = arith.select %broadcast_in_dim3A_836, %add3A_833, %broadcast_in_dim3A_837 : vector<1024x512xi1>, vector<1024x512xf32>
    %get3A_839 = arith.constant 0 : index
    %get3A_840 = arith.constant 0 : index
    %get3A_841 = vector.load %arg10[%get3A_839, %get3A_840] : memref<1x512xf32, #tpu.memory_space<vmem>>, vector<1x512xf32>
    %add3A_842 = vector.broadcast %get3A_841 : vector<1x512xf32> to vector<1024x512xf32>
    %add3A_843 = arith.addf %select_n3A_838, %add3A_842 : vector<1024x512xf32>
    %max3A = arith.constant 0.000000e+00 : f32
    %max3A_844 = vector.broadcast %max3A : f32 to vector<1024x512xf32>
    %max3A_845 = arith.maximumf %add3A_843, %max3A_844 : vector<1024x512xf32>
    %get3A_846 = arith.constant 0 : index
    %get3A_847 = arith.constant 0 : index
    %get3A_848 = vector.load %arg11[%get3A_846, %get3A_847] : memref<512x256xf32, #tpu.memory_space<vmem>>, vector<512x256xf32>
    %dot_general3A_849 = arith.constant dense<0.000000e+00> : vector<1024x256xf32>
    %dot_general3A_850 = tpu.matmul %max3A_845, %get3A_848, %dot_general3A_849 {dimension_numbers = #tpu.dot_dimension_numbers<[1], [0], [0], [1], [0, 0, 1, 1], [], []>, transpose_lhs_hint = false} : vector<1024x512xf32>, vector<512x256xf32>, vector<1024x256xf32> -> vector<1024x256xf32>
    %get3A_851 = arith.constant 0 : index
    %get3A_852 = arith.constant 0 : index
    %get3A_853 = vector.load %arg12[%get3A_851, %get3A_852] : memref<1x256xf32, #tpu.memory_space<vmem>>, vector<1x256xf32>
    %add3A_854 = vector.broadcast %get3A_853 : vector<1x256xf32> to vector<1024x256xf32>
    %add3A_855 = arith.addf %dot_general3A_850, %add3A_854 : vector<1024x256xf32>
    %max3A_856 = arith.constant 0.000000e+00 : f32
    %max3A_857 = vector.broadcast %max3A_856 : f32 to vector<1024x256xf32>
    %max3A_858 = arith.maximumf %add3A_855, %max3A_857 : vector<1024x256xf32>
    %get3A_859 = arith.constant 0 : index
    %get3A_860 = arith.constant 0 : index
    %get3A_861 = vector.load %arg13[%get3A_859, %get3A_860] : memref<256x64xf32, #tpu.memory_space<vmem>>, vector<256x64xf32>
    %dot_general3A_862 = arith.constant dense<0.000000e+00> : vector<1024x64xf32>
    %dot_general3A_863 = tpu.matmul %max3A_858, %get3A_861, %dot_general3A_862 {dimension_numbers = #tpu.dot_dimension_numbers<[1], [0], [0], [1], [0, 0, 1, 1], [], []>, transpose_lhs_hint = false} : vector<1024x256xf32>, vector<256x64xf32>, vector<1024x64xf32> -> vector<1024x64xf32>
    %get3A_864 = arith.constant 0 : index
    %get3A_865 = arith.constant 0 : index
    %get3A_866 = vector.load %arg14[%get3A_864, %get3A_865] : memref<1x64xf32, #tpu.memory_space<vmem>>, vector<1x64xf32>
    %add3A_867 = vector.broadcast %get3A_866 : vector<1x64xf32> to vector<1024x64xf32>
    %add3A_868 = arith.addf %dot_general3A_863, %add3A_867 : vector<1024x64xf32>
    %jit3A_869 = arith.constant 0.000000e+00 : f32
    %broadcast_in_dim3A_870 = vector.shape_cast %concatenate3A_772 : vector<1024x1xi1> to vector<1024x1xi1>
    %broadcast_in_dim3A_871 = vector.broadcast %broadcast_in_dim3A_870 : vector<1024x1xi1> to vector<1024x64xi1>
    %broadcast_in_dim3A_872 = vector.broadcast %jit3A_869 : f32 to vector<1024x64xf32>
    %select_n3A_873 = arith.select %broadcast_in_dim3A_871, %add3A_868, %broadcast_in_dim3A_872 : vector<1024x64xi1>, vector<1024x64xf32>
    %broadcast_in_dim3A_874 = arith.constant 0.000000e+00 : f32
    %broadcast_in_dim3A_875 = vector.broadcast %broadcast_in_dim3A_874 : f32 to vector<1x64xf32>
    %slice3A_876 = vector.extract_strided_slice %select_n3A_873 {offsets = [0, 0], sizes = [1023, 64], strides = [1, 1]} : vector<1024x64xf32> to vector<1023x64xf32>
    %concatenate3A_877 = tpu.concatenate %broadcast_in_dim3A_875, %slice3A_876 in 0 : vector<1x64xf32>, vector<1023x64xf32> -> vector<1024x64xf32>
    %slice3A_878 = vector.extract_strided_slice %select_n3A_873 {offsets = [1, 0], sizes = [1023, 64], strides = [1, 1]} : vector<1024x64xf32> to vector<1023x64xf32>
    %concatenate3A_879 = tpu.concatenate %slice3A_878, %broadcast_in_dim3A_875 in 0 : vector<1023x64xf32>, vector<1x64xf32> -> vector<1024x64xf32>
    %get3A_880 = arith.constant 0 : index
    %get3A_881 = arith.constant 0 : index
    %get3A_882 = arith.constant 0 : index
    %get3A_883 = vector.load %arg15[%get3A_880, %get3A_881, %get3A_882] : memref<3x64x4xf32, #tpu.memory_space<vmem>>, vector<1x64x4xf32>
    %get3A_884 = vector.shape_cast %get3A_883 : vector<1x64x4xf32> to vector<64x4xf32>
    %dot_general3A_885 = arith.constant dense<0.000000e+00> : vector<1024x4xf32>
    %dot_general3A_886 = tpu.matmul %concatenate3A_877, %get3A_884, %dot_general3A_885 {dimension_numbers = #tpu.dot_dimension_numbers<[1], [0], [0], [1], [0, 0, 1, 1], [], []>, transpose_lhs_hint = false} : vector<1024x64xf32>, vector<64x4xf32>, vector<1024x4xf32> -> vector<1024x4xf32>
    %get3A_887 = arith.constant 1 : index
    %get3A_888 = arith.constant 0 : index
    %get3A_889 = arith.constant 0 : index
    %get3A_890 = vector.load %arg15[%get3A_887, %get3A_888, %get3A_889] : memref<3x64x4xf32, #tpu.memory_space<vmem>>, vector<1x64x4xf32>
    %get3A_891 = vector.shape_cast %get3A_890 : vector<1x64x4xf32> to vector<64x4xf32>
    %dot_general3A_892 = arith.constant dense<0.000000e+00> : vector<1024x4xf32>
    %dot_general3A_893 = tpu.matmul %select_n3A_873, %get3A_891, %dot_general3A_892 {dimension_numbers = #tpu.dot_dimension_numbers<[1], [0], [0], [1], [0, 0, 1, 1], [], []>, transpose_lhs_hint = false} : vector<1024x64xf32>, vector<64x4xf32>, vector<1024x4xf32> -> vector<1024x4xf32>
    %add3A_894 = arith.addf %dot_general3A_886, %dot_general3A_893 : vector<1024x4xf32>
    %get3A_895 = arith.constant 2 : index
    %get3A_896 = arith.constant 0 : index
    %get3A_897 = arith.constant 0 : index
    %get3A_898 = vector.load %arg15[%get3A_895, %get3A_896, %get3A_897] : memref<3x64x4xf32, #tpu.memory_space<vmem>>, vector<1x64x4xf32>
    %get3A_899 = vector.shape_cast %get3A_898 : vector<1x64x4xf32> to vector<64x4xf32>
    %dot_general3A_900 = arith.constant dense<0.000000e+00> : vector<1024x4xf32>
    %dot_general3A_901 = tpu.matmul %concatenate3A_879, %get3A_899, %dot_general3A_900 {dimension_numbers = #tpu.dot_dimension_numbers<[1], [0], [0], [1], [0, 0, 1, 1], [], []>, transpose_lhs_hint = false} : vector<1024x64xf32>, vector<64x4xf32>, vector<1024x4xf32> -> vector<1024x4xf32>
    %add3A_902 = arith.addf %add3A_894, %dot_general3A_901 : vector<1024x4xf32>
    %get3A_903 = arith.constant 0 : index
    %get3A_904 = arith.constant 0 : index
    %get3A_905 = vector.load %arg16[%get3A_903, %get3A_904] : memref<1x4xf32, #tpu.memory_space<vmem>>, vector<1x4xf32>
    %add3A_906 = vector.broadcast %get3A_905 : vector<1x4xf32> to vector<1024x4xf32>
    %add3A_907 = arith.addf %add3A_902, %add3A_906 : vector<1024x4xf32>
    %jit3A_908 = arith.constant 0.000000e+00 : f32
    %broadcast_in_dim3A_909 = vector.shape_cast %concatenate3A_772 : vector<1024x1xi1> to vector<1024x1xi1>
    %broadcast_in_dim3A_910 = vector.broadcast %broadcast_in_dim3A_909 : vector<1024x1xi1> to vector<1024x4xi1>
    %broadcast_in_dim3A_911 = vector.broadcast %jit3A_908 : f32 to vector<1024x4xf32>
    %select_n3A_912 = arith.select %broadcast_in_dim3A_910, %add3A_907, %broadcast_in_dim3A_911 : vector<1024x4xi1>, vector<1024x4xf32>
    %broadcast_in_dim3A_913 = arith.constant 0.000000e+00 : f32
    %broadcast_in_dim3A_914 = vector.broadcast %broadcast_in_dim3A_913 : f32 to vector<1x4xf32>
    %slice3A_915 = vector.extract_strided_slice %select_n3A_912 {offsets = [0, 0], sizes = [1023, 4], strides = [1, 1]} : vector<1024x4xf32> to vector<1023x4xf32>
    %concatenate3A_916 = tpu.concatenate %broadcast_in_dim3A_914, %slice3A_915 in 0 : vector<1x4xf32>, vector<1023x4xf32> -> vector<1024x4xf32>
    %slice3A_917 = vector.extract_strided_slice %select_n3A_912 {offsets = [1, 0], sizes = [1023, 4], strides = [1, 1]} : vector<1024x4xf32> to vector<1023x4xf32>
    %concatenate3A_918 = tpu.concatenate %slice3A_917, %broadcast_in_dim3A_914 in 0 : vector<1023x4xf32>, vector<1x4xf32> -> vector<1024x4xf32>
    %get3A_919 = arith.constant 0 : index
    %get3A_920 = arith.constant 0 : index
    %get3A_921 = arith.constant 0 : index
    %get3A_922 = vector.load %arg17[%get3A_919, %get3A_920, %get3A_921] : memref<3x4x2xf32, #tpu.memory_space<vmem>>, vector<1x4x2xf32>
    %get3A_923 = vector.shape_cast %get3A_922 : vector<1x4x2xf32> to vector<4x2xf32>
    %dot_general3A_924 = arith.constant dense<0.000000e+00> : vector<1024x2xf32>
    %dot_general3A_925 = tpu.matmul %concatenate3A_916, %get3A_923, %dot_general3A_924 {dimension_numbers = #tpu.dot_dimension_numbers<[1], [0], [0], [1], [0, 0, 1, 1], [], []>, transpose_lhs_hint = false} : vector<1024x4xf32>, vector<4x2xf32>, vector<1024x2xf32> -> vector<1024x2xf32>
    %get3A_926 = arith.constant 1 : index
    %get3A_927 = arith.constant 0 : index
    %get3A_928 = arith.constant 0 : index
    %get3A_929 = vector.load %arg17[%get3A_926, %get3A_927, %get3A_928] : memref<3x4x2xf32, #tpu.memory_space<vmem>>, vector<1x4x2xf32>
    %get3A_930 = vector.shape_cast %get3A_929 : vector<1x4x2xf32> to vector<4x2xf32>
    %dot_general3A_931 = arith.constant dense<0.000000e+00> : vector<1024x2xf32>
    %dot_general3A_932 = tpu.matmul %select_n3A_912, %get3A_930, %dot_general3A_931 {dimension_numbers = #tpu.dot_dimension_numbers<[1], [0], [0], [1], [0, 0, 1, 1], [], []>, transpose_lhs_hint = false} : vector<1024x4xf32>, vector<4x2xf32>, vector<1024x2xf32> -> vector<1024x2xf32>
    %add3A_933 = arith.addf %dot_general3A_925, %dot_general3A_932 : vector<1024x2xf32>
    %get3A_934 = arith.constant 2 : index
    %get3A_935 = arith.constant 0 : index
    %get3A_936 = arith.constant 0 : index
    %get3A_937 = vector.load %arg17[%get3A_934, %get3A_935, %get3A_936] : memref<3x4x2xf32, #tpu.memory_space<vmem>>, vector<1x4x2xf32>
    %get3A_938 = vector.shape_cast %get3A_937 : vector<1x4x2xf32> to vector<4x2xf32>
    %dot_general3A_939 = arith.constant dense<0.000000e+00> : vector<1024x2xf32>
    %dot_general3A_940 = tpu.matmul %concatenate3A_918, %get3A_938, %dot_general3A_939 {dimension_numbers = #tpu.dot_dimension_numbers<[1], [0], [0], [1], [0, 0, 1, 1], [], []>, transpose_lhs_hint = false} : vector<1024x4xf32>, vector<4x2xf32>, vector<1024x2xf32> -> vector<1024x2xf32>
    %add3A_941 = arith.addf %add3A_933, %dot_general3A_940 : vector<1024x2xf32>
    %get3A_942 = arith.constant 0 : index
    %get3A_943 = arith.constant 0 : index
    %get3A_944 = vector.load %arg18[%get3A_942, %get3A_943] : memref<1x2xf32, #tpu.memory_space<vmem>>, vector<1x2xf32>
    %add3A_945 = vector.broadcast %get3A_944 : vector<1x2xf32> to vector<1024x2xf32>
    %add3A_946 = arith.addf %add3A_941, %add3A_945 : vector<1024x2xf32>
    %iota3A_947 = tpu.iota {dimensions = array<i32: 1>} : vector<1024x2xi32>
    %mul3A_948 = arith.constant 2 : i32
    %mul3A_949 = vector.broadcast %mul3A_948 : i32 to vector<1024x2xi32>
    %mul3A_950 = arith.muli %mul3A_949, %iota3A_947 : vector<1024x2xi32>
    %sub3A_951 = arith.constant 1 : i32
    %sub3A_952 = vector.broadcast %sub3A_951 : i32 to vector<1024x2xi32>
    %sub3A_953 = arith.subi %sub3A_952, %mul3A_950 : vector<1024x2xi32>
    %mul3A_954 = vector.broadcast %concatenate3A_770 : vector<1024x1xi32> to vector<1024x2xi32>
    %mul3A_955 = arith.muli %mul3A_954, %sub3A_953 : vector<1024x2xi32>
    %ge3A_956 = arith.constant 0 : i32
    %ge3A_957 = vector.broadcast %ge3A_956 : i32 to vector<1024x2xi32>
    %ge3A_958 = arith.cmpi sge, %mul3A_955, %ge3A_957 : vector<1024x2xi32>
    %and3A_959 = vector.broadcast %concatenate3A_771 : vector<1024x1xi1> to vector<1024x2xi1>
    %and3A_960 = arith.andi %ge3A_958, %and3A_959 : vector<1024x2xi1>
    %jit3A_961 = arith.constant 0xFF800000 : f32
    %broadcast_in_dim3A_962 = vector.broadcast %jit3A_961 : f32 to vector<1024x2xf32>
    %select_n3A_963 = arith.select %and3A_960, %add3A_946, %broadcast_in_dim3A_962 : vector<1024x2xi1>, vector<1024x2xf32>
    %swap3A = arith.constant 0 : index
    %swap3A_964 = arith.constant 0 : index
    %swap3A_965 = vector.load %arg21[%swap3A, %swap3A_964] : memref<1024x2xf32, #tpu.memory_space<vmem>>, vector<1024x2xf32>
    tpu.vector_store %arg21[%swap3A, %swap3A_964], %select_n3A_963 {strides = array<i32>} : memref<1024x2xf32, #tpu.memory_space<vmem>>, vector<1024x2xf32>,
    %dma_start3A = arith.constant 0 : i32
    %dma_start3A_966 = tpu.memref_slice %arg22[%dma_start3A] : memref<1x!tpu.dma_semaphore, #tpu.memory_space<semaphore_mem>> -> memref<1x!tpu.dma_semaphore, #tpu.memory_space<semaphore_mem>>
    %dma_start3A_967 = tpu.memref_squeeze %dma_start3A_966 : memref<1x!tpu.dma_semaphore, #tpu.memory_space<semaphore_mem>> -> memref<!tpu.dma_semaphore, #tpu.memory_space<semaphore_mem>>
    %dma_start3A_968 = arith.constant 0 : i32
    %dma_start3A_969 = tpu.memref_slice %arg20[%add3A_3, %multiple_of3A, %dma_start3A_968] : memref<1024x8320x2xf32, #tpu.memory_space<any>> -> memref<1x128x2xf32, #tpu.memory_space<any>>
    %dma_start3A_970 = tpu.memref_squeeze %dma_start3A_969 : memref<1x128x2xf32, #tpu.memory_space<any>> -> memref<128x2xf32, #tpu.memory_space<any>>
    %dma_start3A_971 = arith.constant 0 : i32
    %dma_start3A_972 = arith.constant 0 : i32
    %dma_start3A_973 = tpu.memref_slice %arg21[%dma_start3A_971, %dma_start3A_972] : memref<1024x2xf32, #tpu.memory_space<vmem>> -> memref<128x2xf32, #tpu.memory_space<vmem>>
    tpu.enqueue_dma source(%dma_start3A_973 : memref<128x2xf32, #tpu.memory_space<vmem>>) target(%dma_start3A_970 : memref<128x2xf32, #tpu.memory_space<any>>) target_semaphore(%dma_start3A_967 : memref<!tpu.dma_semaphore, #tpu.memory_space<semaphore_mem>>)
    %dma_start3A_974 = arith.constant 0 : i32
    %dma_start3A_975 = tpu.memref_slice %arg22[%dma_start3A_974] : memref<1x!tpu.dma_semaphore, #tpu.memory_space<semaphore_mem>> -> memref<1x!tpu.dma_semaphore, #tpu.memory_space<semaphore_mem>>
    %dma_start3A_976 = tpu.memref_squeeze %dma_start3A_975 : memref<1x!tpu.dma_semaphore, #tpu.memory_space<semaphore_mem>> -> memref<!tpu.dma_semaphore, #tpu.memory_space<semaphore_mem>>
    %dma_start3A_977 = arith.constant 0 : i32
    %dma_start3A_978 = tpu.memref_slice %arg20[%add3A_87, %multiple_of3A_120, %dma_start3A_977] : memref<1024x8320x2xf32, #tpu.memory_space<any>> -> memref<1x128x2xf32, #tpu.memory_space<any>>
    %dma_start3A_979 = tpu.memref_squeeze %dma_start3A_978 : memref<1x128x2xf32, #tpu.memory_space<any>> -> memref<128x2xf32, #tpu.memory_space<any>>
    %dma_start3A_980 = arith.constant 128 : i32
    %dma_start3A_981 = arith.constant 0 : i32
    %dma_start3A_982 = tpu.memref_slice %arg21[%dma_start3A_980, %dma_start3A_981] : memref<1024x2xf32, #tpu.memory_space<vmem>> -> memref<128x2xf32, #tpu.memory_space<vmem>>
    tpu.enqueue_dma source(%dma_start3A_982 : memref<128x2xf32, #tpu.memory_space<vmem>>) target(%dma_start3A_979 : memref<128x2xf32, #tpu.memory_space<any>>) target_semaphore(%dma_start3A_976 : memref<!tpu.dma_semaphore, #tpu.memory_space<semaphore_mem>>)
    %dma_start3A_983 = arith.constant 0 : i32
    %dma_start3A_984 = tpu.memref_slice %arg22[%dma_start3A_983] : memref<1x!tpu.dma_semaphore, #tpu.memory_space<semaphore_mem>> -> memref<1x!tpu.dma_semaphore, #tpu.memory_space<semaphore_mem>>
    %dma_start3A_985 = tpu.memref_squeeze %dma_start3A_984 : memref<1x!tpu.dma_semaphore, #tpu.memory_space<semaphore_mem>> -> memref<!tpu.dma_semaphore, #tpu.memory_space<semaphore_mem>>
    %dma_start3A_986 = arith.constant 0 : i32
    %dma_start3A_987 = tpu.memref_slice %arg20[%add3A_185, %multiple_of3A_218, %dma_start3A_986] : memref<1024x8320x2xf32, #tpu.memory_space<any>> -> memref<1x128x2xf32, #tpu.memory_space<any>>
    %dma_start3A_988 = tpu.memref_squeeze %dma_start3A_987 : memref<1x128x2xf32, #tpu.memory_space<any>> -> memref<128x2xf32, #tpu.memory_space<any>>
    %dma_start3A_989 = arith.constant 256 : i32
    %dma_start3A_990 = arith.constant 0 : i32
    %dma_start3A_991 = tpu.memref_slice %arg21[%dma_start3A_989, %dma_start3A_990] : memref<1024x2xf32, #tpu.memory_space<vmem>> -> memref<128x2xf32, #tpu.memory_space<vmem>>
    tpu.enqueue_dma source(%dma_start3A_991 : memref<128x2xf32, #tpu.memory_space<vmem>>) target(%dma_start3A_988 : memref<128x2xf32, #tpu.memory_space<any>>) target_semaphore(%dma_start3A_985 : memref<!tpu.dma_semaphore, #tpu.memory_space<semaphore_mem>>)
    %dma_start3A_992 = arith.constant 0 : i32
    %dma_start3A_993 = tpu.memref_slice %arg22[%dma_start3A_992] : memref<1x!tpu.dma_semaphore, #tpu.memory_space<semaphore_mem>> -> memref<1x!tpu.dma_semaphore, #tpu.memory_space<semaphore_mem>>
    %dma_start3A_994 = tpu.memref_squeeze %dma_start3A_993 : memref<1x!tpu.dma_semaphore, #tpu.memory_space<semaphore_mem>> -> memref<!tpu.dma_semaphore, #tpu.memory_space<semaphore_mem>>
    %dma_start3A_995 = arith.constant 0 : i32
    %dma_start3A_996 = tpu.memref_slice %arg20[%add3A_283, %multiple_of3A_316, %dma_start3A_995] : memref<1024x8320x2xf32, #tpu.memory_space<any>> -> memref<1x128x2xf32, #tpu.memory_space<any>>
    %dma_start3A_997 = tpu.memref_squeeze %dma_start3A_996 : memref<1x128x2xf32, #tpu.memory_space<any>> -> memref<128x2xf32, #tpu.memory_space<any>>
    %dma_start3A_998 = arith.constant 384 : i32
    %dma_start3A_999 = arith.constant 0 : i32
    %dma_start3A_1000 = tpu.memref_slice %arg21[%dma_start3A_998, %dma_start3A_999] : memref<1024x2xf32, #tpu.memory_space<vmem>> -> memref<128x2xf32, #tpu.memory_space<vmem>>
    tpu.enqueue_dma source(%dma_start3A_1000 : memref<128x2xf32, #tpu.memory_space<vmem>>) target(%dma_start3A_997 : memref<128x2xf32, #tpu.memory_space<any>>) target_semaphore(%dma_start3A_994 : memref<!tpu.dma_semaphore, #tpu.memory_space<semaphore_mem>>)
    %dma_start3A_1001 = arith.constant 0 : i32
    %dma_start3A_1002 = tpu.memref_slice %arg22[%dma_start3A_1001] : memref<1x!tpu.dma_semaphore, #tpu.memory_space<semaphore_mem>> -> memref<1x!tpu.dma_semaphore, #tpu.memory_space<semaphore_mem>>
    %dma_start3A_1003 = tpu.memref_squeeze %dma_start3A_1002 : memref<1x!tpu.dma_semaphore, #tpu.memory_space<semaphore_mem>> -> memref<!tpu.dma_semaphore, #tpu.memory_space<semaphore_mem>>
    %dma_start3A_1004 = arith.constant 0 : i32
    %dma_start3A_1005 = tpu.memref_slice %arg20[%add3A_381, %multiple_of3A_414, %dma_start3A_1004] : memref<1024x8320x2xf32, #tpu.memory_space<any>> -> memref<1x128x2xf32, #tpu.memory_space<any>>
    %dma_start3A_1006 = tpu.memref_squeeze %dma_start3A_1005 : memref<1x128x2xf32, #tpu.memory_space<any>> -> memref<128x2xf32, #tpu.memory_space<any>>
    %dma_start3A_1007 = arith.constant 512 : i32
    %dma_start3A_1008 = arith.constant 0 : i32
    %dma_start3A_1009 = tpu.memref_slice %arg21[%dma_start3A_1007, %dma_start3A_1008] : memref<1024x2xf32, #tpu.memory_space<vmem>> -> memref<128x2xf32, #tpu.memory_space<vmem>>
    tpu.enqueue_dma source(%dma_start3A_1009 : memref<128x2xf32, #tpu.memory_space<vmem>>) target(%dma_start3A_1006 : memref<128x2xf32, #tpu.memory_space<any>>) target_semaphore(%dma_start3A_1003 : memref<!tpu.dma_semaphore, #tpu.memory_space<semaphore_mem>>)
    %dma_start3A_1010 = arith.constant 0 : i32
    %dma_start3A_1011 = tpu.memref_slice %arg22[%dma_start3A_1010] : memref<1x!tpu.dma_semaphore, #tpu.memory_space<semaphore_mem>> -> memref<1x!tpu.dma_semaphore, #tpu.memory_space<semaphore_mem>>
    %dma_start3A_1012 = tpu.memref_squeeze %dma_start3A_1011 : memref<1x!tpu.dma_semaphore, #tpu.memory_space<semaphore_mem>> -> memref<!tpu.dma_semaphore, #tpu.memory_space<semaphore_mem>>
    %dma_start3A_1013 = arith.constant 0 : i32
    %dma_start3A_1014 = tpu.memref_slice %arg20[%add3A_479, %multiple_of3A_512, %dma_start3A_1013] : memref<1024x8320x2xf32, #tpu.memory_space<any>> -> memref<1x128x2xf32, #tpu.memory_space<any>>
    %dma_start3A_1015 = tpu.memref_squeeze %dma_start3A_1014 : memref<1x128x2xf32, #tpu.memory_space<any>> -> memref<128x2xf32, #tpu.memory_space<any>>
    %dma_start3A_1016 = arith.constant 640 : i32
    %dma_start3A_1017 = arith.constant 0 : i32
    %dma_start3A_1018 = tpu.memref_slice %arg21[%dma_start3A_1016, %dma_start3A_1017] : memref<1024x2xf32, #tpu.memory_space<vmem>> -> memref<128x2xf32, #tpu.memory_space<vmem>>
    tpu.enqueue_dma source(%dma_start3A_1018 : memref<128x2xf32, #tpu.memory_space<vmem>>) target(%dma_start3A_1015 : memref<128x2xf32, #tpu.memory_space<any>>) target_semaphore(%dma_start3A_1012 : memref<!tpu.dma_semaphore, #tpu.memory_space<semaphore_mem>>)
    %dma_start3A_1019 = arith.constant 0 : i32
    %dma_start3A_1020 = tpu.memref_slice %arg22[%dma_start3A_1019] : memref<1x!tpu.dma_semaphore, #tpu.memory_space<semaphore_mem>> -> memref<1x!tpu.dma_semaphore, #tpu.memory_space<semaphore_mem>>
    %dma_start3A_1021 = tpu.memref_squeeze %dma_start3A_1020 : memref<1x!tpu.dma_semaphore, #tpu.memory_space<semaphore_mem>> -> memref<!tpu.dma_semaphore, #tpu.memory_space<semaphore_mem>>
    %dma_start3A_1022 = arith.constant 0 : i32
    %dma_start3A_1023 = tpu.memref_slice %arg20[%add3A_577, %multiple_of3A_610, %dma_start3A_1022] : memref<1024x8320x2xf32, #tpu.memory_space<any>> -> memref<1x128x2xf32, #tpu.memory_space<any>>
    %dma_start3A_1024 = tpu.memref_squeeze %dma_start3A_1023 : memref<1x128x2xf32, #tpu.memory_space<any>> -> memref<128x2xf32, #tpu.memory_space<any>>
    %dma_start3A_1025 = arith.constant 768 : i32
    %dma_start3A_1026 = arith.constant 0 : i32
    %dma_start3A_1027 = tpu.memref_slice %arg21[%dma_start3A_1025, %dma_start3A_1026] : memref<1024x2xf32, #tpu.memory_space<vmem>> -> memref<128x2xf32, #tpu.memory_space<vmem>>
    tpu.enqueue_dma source(%dma_start3A_1027 : memref<128x2xf32, #tpu.memory_space<vmem>>) target(%dma_start3A_1024 : memref<128x2xf32, #tpu.memory_space<any>>) target_semaphore(%dma_start3A_1021 : memref<!tpu.dma_semaphore, #tpu.memory_space<semaphore_mem>>)
    %dma_start3A_1028 = arith.constant 0 : i32
    %dma_start3A_1029 = tpu.memref_slice %arg22[%dma_start3A_1028] : memref<1x!tpu.dma_semaphore, #tpu.memory_space<semaphore_mem>> -> memref<1x!tpu.dma_semaphore, #tpu.memory_space<semaphore_mem>>
    %dma_start3A_1030 = tpu.memref_squeeze %dma_start3A_1029 : memref<1x!tpu.dma_semaphore, #tpu.memory_space<semaphore_mem>> -> memref<!tpu.dma_semaphore, #tpu.memory_space<semaphore_mem>>
    %dma_start3A_1031 = arith.constant 0 : i32
    %dma_start3A_1032 = tpu.memref_slice %arg20[%add3A_675, %multiple_of3A_708, %dma_start3A_1031] : memref<1024x8320x2xf32, #tpu.memory_space<any>> -> memref<1x128x2xf32, #tpu.memory_space<any>>
    %dma_start3A_1033 = tpu.memref_squeeze %dma_start3A_1032 : memref<1x128x2xf32, #tpu.memory_space<any>> -> memref<128x2xf32, #tpu.memory_space<any>>
    %dma_start3A_1034 = arith.constant 896 : i32
    %dma_start3A_1035 = arith.constant 0 : i32
    %dma_start3A_1036 = tpu.memref_slice %arg21[%dma_start3A_1034, %dma_start3A_1035] : memref<1024x2xf32, #tpu.memory_space<vmem>> -> memref<128x2xf32, #tpu.memory_space<vmem>>
    tpu.enqueue_dma source(%dma_start3A_1036 : memref<128x2xf32, #tpu.memory_space<vmem>>) target(%dma_start3A_1033 : memref<128x2xf32, #tpu.memory_space<any>>) target_semaphore(%dma_start3A_1030 : memref<!tpu.dma_semaphore, #tpu.memory_space<semaphore_mem>>)
    %dma_wait3A = arith.constant 0 : i32
    %dma_wait3A_1037 = tpu.memref_slice %arg22[%dma_wait3A] : memref<1x!tpu.dma_semaphore, #tpu.memory_space<semaphore_mem>> -> memref<1x!tpu.dma_semaphore, #tpu.memory_space<semaphore_mem>>
    %dma_wait3A_1038 = tpu.memref_squeeze %dma_wait3A_1037 : memref<1x!tpu.dma_semaphore, #tpu.memory_space<semaphore_mem>> -> memref<!tpu.dma_semaphore, #tpu.memory_space<semaphore_mem>>
    %dma_wait3A_1039 = arith.constant 0 : i32
    %dma_wait3A_1040 = tpu.memref_slice %arg20[%add3A_3, %multiple_of3A, %dma_wait3A_1039] : memref<1024x8320x2xf32, #tpu.memory_space<any>> -> memref<1x128x2xf32, #tpu.memory_space<any>>
    %dma_wait3A_1041 = tpu.memref_squeeze %dma_wait3A_1040 : memref<1x128x2xf32, #tpu.memory_space<any>> -> memref<128x2xf32, #tpu.memory_space<any>>
    %dma_wait3A_1042 = arith.constant 0 : i32
    %dma_wait3A_1043 = arith.constant 0 : i32
    %dma_wait3A_1044 = tpu.memref_slice %arg21[%dma_wait3A_1042, %dma_wait3A_1043] : memref<1024x2xf32, #tpu.memory_space<vmem>> -> memref<128x2xf32, #tpu.memory_space<vmem>>
    tpu.wait_dma2 semaphore(%dma_wait3A_1038 : memref<!tpu.dma_semaphore, #tpu.memory_space<semaphore_mem>>) src(%dma_wait3A_1044 : memref<128x2xf32, #tpu.memory_space<vmem>>) dst(%dma_wait3A_1041 : memref<128x2xf32, #tpu.memory_space<any>>)
    %dma_wait3A_1045 = arith.constant 0 : i32
    %dma_wait3A_1046 = tpu.memref_slice %arg22[%dma_wait3A_1045] : memref<1x!tpu.dma_semaphore, #tpu.memory_space<semaphore_mem>> -> memref<1x!tpu.dma_semaphore, #tpu.memory_space<semaphore_mem>>
    %dma_wait3A_1047 = tpu.memref_squeeze %dma_wait3A_1046 : memref<1x!tpu.dma_semaphore, #tpu.memory_space<semaphore_mem>> -> memref<!tpu.dma_semaphore, #tpu.memory_space<semaphore_mem>>
    %dma_wait3A_1048 = arith.constant 0 : i32
    %dma_wait3A_1049 = tpu.memref_slice %arg20[%add3A_87, %multiple_of3A_120, %dma_wait3A_1048] : memref<1024x8320x2xf32, #tpu.memory_space<any>> -> memref<1x128x2xf32, #tpu.memory_space<any>>
    %dma_wait3A_1050 = tpu.memref_squeeze %dma_wait3A_1049 : memref<1x128x2xf32, #tpu.memory_space<any>> -> memref<128x2xf32, #tpu.memory_space<any>>
    %dma_wait3A_1051 = arith.constant 128 : i32
    %dma_wait3A_1052 = arith.constant 0 : i32
    %dma_wait3A_1053 = tpu.memref_slice %arg21[%dma_wait3A_1051, %dma_wait3A_1052] : memref<1024x2xf32, #tpu.memory_space<vmem>> -> memref<128x2xf32, #tpu.memory_space<vmem>>
    tpu.wait_dma2 semaphore(%dma_wait3A_1047 : memref<!tpu.dma_semaphore, #tpu.memory_space<semaphore_mem>>) src(%dma_wait3A_1053 : memref<128x2xf32, #tpu.memory_space<vmem>>) dst(%dma_wait3A_1050 : memref<128x2xf32, #tpu.memory_space<any>>)
    %dma_wait3A_1054 = arith.constant 0 : i32
    %dma_wait3A_1055 = tpu.memref_slice %arg22[%dma_wait3A_1054] : memref<1x!tpu.dma_semaphore, #tpu.memory_space<semaphore_mem>> -> memref<1x!tpu.dma_semaphore, #tpu.memory_space<semaphore_mem>>
    %dma_wait3A_1056 = tpu.memref_squeeze %dma_wait3A_1055 : memref<1x!tpu.dma_semaphore, #tpu.memory_space<semaphore_mem>> -> memref<!tpu.dma_semaphore, #tpu.memory_space<semaphore_mem>>
    %dma_wait3A_1057 = arith.constant 0 : i32
    %dma_wait3A_1058 = tpu.memref_slice %arg20[%add3A_185, %multiple_of3A_218, %dma_wait3A_1057] : memref<1024x8320x2xf32, #tpu.memory_space<any>> -> memref<1x128x2xf32, #tpu.memory_space<any>>
    %dma_wait3A_1059 = tpu.memref_squeeze %dma_wait3A_1058 : memref<1x128x2xf32, #tpu.memory_space<any>> -> memref<128x2xf32, #tpu.memory_space<any>>
    %dma_wait3A_1060 = arith.constant 256 : i32
    %dma_wait3A_1061 = arith.constant 0 : i32
    %dma_wait3A_1062 = tpu.memref_slice %arg21[%dma_wait3A_1060, %dma_wait3A_1061] : memref<1024x2xf32, #tpu.memory_space<vmem>> -> memref<128x2xf32, #tpu.memory_space<vmem>>
    tpu.wait_dma2 semaphore(%dma_wait3A_1056 : memref<!tpu.dma_semaphore, #tpu.memory_space<semaphore_mem>>) src(%dma_wait3A_1062 : memref<128x2xf32, #tpu.memory_space<vmem>>) dst(%dma_wait3A_1059 : memref<128x2xf32, #tpu.memory_space<any>>)
    %dma_wait3A_1063 = arith.constant 0 : i32
    %dma_wait3A_1064 = tpu.memref_slice %arg22[%dma_wait3A_1063] : memref<1x!tpu.dma_semaphore, #tpu.memory_space<semaphore_mem>> -> memref<1x!tpu.dma_semaphore, #tpu.memory_space<semaphore_mem>>
    %dma_wait3A_1065 = tpu.memref_squeeze %dma_wait3A_1064 : memref<1x!tpu.dma_semaphore, #tpu.memory_space<semaphore_mem>> -> memref<!tpu.dma_semaphore, #tpu.memory_space<semaphore_mem>>
    %dma_wait3A_1066 = arith.constant 0 : i32
    %dma_wait3A_1067 = tpu.memref_slice %arg20[%add3A_283, %multiple_of3A_316, %dma_wait3A_1066] : memref<1024x8320x2xf32, #tpu.memory_space<any>> -> memref<1x128x2xf32, #tpu.memory_space<any>>
    %dma_wait3A_1068 = tpu.memref_squeeze %dma_wait3A_1067 : memref<1x128x2xf32, #tpu.memory_space<any>> -> memref<128x2xf32, #tpu.memory_space<any>>
    %dma_wait3A_1069 = arith.constant 384 : i32
    %dma_wait3A_1070 = arith.constant 0 : i32
    %dma_wait3A_1071 = tpu.memref_slice %arg21[%dma_wait3A_1069, %dma_wait3A_1070] : memref<1024x2xf32, #tpu.memory_space<vmem>> -> memref<128x2xf32, #tpu.memory_space<vmem>>
    tpu.wait_dma2 semaphore(%dma_wait3A_1065 : memref<!tpu.dma_semaphore, #tpu.memory_space<semaphore_mem>>) src(%dma_wait3A_1071 : memref<128x2xf32, #tpu.memory_space<vmem>>) dst(%dma_wait3A_1068 : memref<128x2xf32, #tpu.memory_space<any>>)
    %dma_wait3A_1072 = arith.constant 0 : i32
    %dma_wait3A_1073 = tpu.memref_slice %arg22[%dma_wait3A_1072] : memref<1x!tpu.dma_semaphore, #tpu.memory_space<semaphore_mem>> -> memref<1x!tpu.dma_semaphore, #tpu.memory_space<semaphore_mem>>
    %dma_wait3A_1074 = tpu.memref_squeeze %dma_wait3A_1073 : memref<1x!tpu.dma_semaphore, #tpu.memory_space<semaphore_mem>> -> memref<!tpu.dma_semaphore, #tpu.memory_space<semaphore_mem>>
    %dma_wait3A_1075 = arith.constant 0 : i32
    %dma_wait3A_1076 = tpu.memref_slice %arg20[%add3A_381, %multiple_of3A_414, %dma_wait3A_1075] : memref<1024x8320x2xf32, #tpu.memory_space<any>> -> memref<1x128x2xf32, #tpu.memory_space<any>>
    %dma_wait3A_1077 = tpu.memref_squeeze %dma_wait3A_1076 : memref<1x128x2xf32, #tpu.memory_space<any>> -> memref<128x2xf32, #tpu.memory_space<any>>
    %dma_wait3A_1078 = arith.constant 512 : i32
    %dma_wait3A_1079 = arith.constant 0 : i32
    %dma_wait3A_1080 = tpu.memref_slice %arg21[%dma_wait3A_1078, %dma_wait3A_1079] : memref<1024x2xf32, #tpu.memory_space<vmem>> -> memref<128x2xf32, #tpu.memory_space<vmem>>
    tpu.wait_dma2 semaphore(%dma_wait3A_1074 : memref<!tpu.dma_semaphore, #tpu.memory_space<semaphore_mem>>) src(%dma_wait3A_1080 : memref<128x2xf32, #tpu.memory_space<vmem>>) dst(%dma_wait3A_1077 : memref<128x2xf32, #tpu.memory_space<any>>)
    %dma_wait3A_1081 = arith.constant 0 : i32
    %dma_wait3A_1082 = tpu.memref_slice %arg22[%dma_wait3A_1081] : memref<1x!tpu.dma_semaphore, #tpu.memory_space<semaphore_mem>> -> memref<1x!tpu.dma_semaphore, #tpu.memory_space<semaphore_mem>>
    %dma_wait3A_1083 = tpu.memref_squeeze %dma_wait3A_1082 : memref<1x!tpu.dma_semaphore, #tpu.memory_space<semaphore_mem>> -> memref<!tpu.dma_semaphore, #tpu.memory_space<semaphore_mem>>
    %dma_wait3A_1084 = arith.constant 0 : i32
    %dma_wait3A_1085 = tpu.memref_slice %arg20[%add3A_479, %multiple_of3A_512, %dma_wait3A_1084] : memref<1024x8320x2xf32, #tpu.memory_space<any>> -> memref<1x128x2xf32, #tpu.memory_space<any>>
    %dma_wait3A_1086 = tpu.memref_squeeze %dma_wait3A_1085 : memref<1x128x2xf32, #tpu.memory_space<any>> -> memref<128x2xf32, #tpu.memory_space<any>>
    %dma_wait3A_1087 = arith.constant 640 : i32
    %dma_wait3A_1088 = arith.constant 0 : i32
    %dma_wait3A_1089 = tpu.memref_slice %arg21[%dma_wait3A_1087, %dma_wait3A_1088] : memref<1024x2xf32, #tpu.memory_space<vmem>> -> memref<128x2xf32, #tpu.memory_space<vmem>>
    tpu.wait_dma2 semaphore(%dma_wait3A_1083 : memref<!tpu.dma_semaphore, #tpu.memory_space<semaphore_mem>>) src(%dma_wait3A_1089 : memref<128x2xf32, #tpu.memory_space<vmem>>) dst(%dma_wait3A_1086 : memref<128x2xf32, #tpu.memory_space<any>>)
    %dma_wait3A_1090 = arith.constant 0 : i32
    %dma_wait3A_1091 = tpu.memref_slice %arg22[%dma_wait3A_1090] : memref<1x!tpu.dma_semaphore, #tpu.memory_space<semaphore_mem>> -> memref<1x!tpu.dma_semaphore, #tpu.memory_space<semaphore_mem>>
    %dma_wait3A_1092 = tpu.memref_squeeze %dma_wait3A_1091 : memref<1x!tpu.dma_semaphore, #tpu.memory_space<semaphore_mem>> -> memref<!tpu.dma_semaphore, #tpu.memory_space<semaphore_mem>>
    %dma_wait3A_1093 = arith.constant 0 : i32
    %dma_wait3A_1094 = tpu.memref_slice %arg20[%add3A_577, %multiple_of3A_610, %dma_wait3A_1093] : memref<1024x8320x2xf32, #tpu.memory_space<any>> -> memref<1x128x2xf32, #tpu.memory_space<any>>
    %dma_wait3A_1095 = tpu.memref_squeeze %dma_wait3A_1094 : memref<1x128x2xf32, #tpu.memory_space<any>> -> memref<128x2xf32, #tpu.memory_space<any>>
    %dma_wait3A_1096 = arith.constant 768 : i32
    %dma_wait3A_1097 = arith.constant 0 : i32
    %dma_wait3A_1098 = tpu.memref_slice %arg21[%dma_wait3A_1096, %dma_wait3A_1097] : memref<1024x2xf32, #tpu.memory_space<vmem>> -> memref<128x2xf32, #tpu.memory_space<vmem>>
    tpu.wait_dma2 semaphore(%dma_wait3A_1092 : memref<!tpu.dma_semaphore, #tpu.memory_space<semaphore_mem>>) src(%dma_wait3A_1098 : memref<128x2xf32, #tpu.memory_space<vmem>>) dst(%dma_wait3A_1095 : memref<128x2xf32, #tpu.memory_space<any>>)
    %dma_wait3A_1099 = arith.constant 0 : i32
    %dma_wait3A_1100 = tpu.memref_slice %arg22[%dma_wait3A_1099] : memref<1x!tpu.dma_semaphore, #tpu.memory_space<semaphore_mem>> -> memref<1x!tpu.dma_semaphore, #tpu.memory_space<semaphore_mem>>
    %dma_wait3A_1101 = tpu.memref_squeeze %dma_wait3A_1100 : memref<1x!tpu.dma_semaphore, #tpu.memory_space<semaphore_mem>> -> memref<!tpu.dma_semaphore, #tpu.memory_space<semaphore_mem>>
    %dma_wait3A_1102 = arith.constant 0 : i32
    %dma_wait3A_1103 = tpu.memref_slice %arg20[%add3A_675, %multiple_of3A_708, %dma_wait3A_1102] : memref<1024x8320x2xf32, #tpu.memory_space<any>> -> memref<1x128x2xf32, #tpu.memory_space<any>>
    %dma_wait3A_1104 = tpu.memref_squeeze %dma_wait3A_1103 : memref<1x128x2xf32, #tpu.memory_space<any>> -> memref<128x2xf32, #tpu.memory_space<any>>
    %dma_wait3A_1105 = arith.constant 896 : i32
    %dma_wait3A_1106 = arith.constant 0 : i32
    %dma_wait3A_1107 = tpu.memref_slice %arg21[%dma_wait3A_1105, %dma_wait3A_1106] : memref<1024x2xf32, #tpu.memory_space<vmem>> -> memref<128x2xf32, #tpu.memory_space<vmem>>
    tpu.wait_dma2 semaphore(%dma_wait3A_1101 : memref<!tpu.dma_semaphore, #tpu.memory_space<semaphore_mem>>) src(%dma_wait3A_1107 : memref<128x2xf32, #tpu.memory_space<vmem>>) dst(%dma_wait3A_1104 : memref<128x2xf32, #tpu.memory_space<any>>)
    return
  }
  func.func @transform_0(%arg0: i32, %arg1: memref<1024xi32, #tpu.memory_space<smem>>, %arg2: memref<1024xi32, #tpu.memory_space<smem>>, %arg3: memref<1024xi32, #tpu.memory_space<smem>>, %arg4: memref<1xi32, #tpu.memory_space<smem>>) -> (i32, i32) {
    %c0_i32 = arith.constant 0 : i32
    %c0_i32_0 = arith.constant 0 : i32
    %c0_i32_1 = arith.constant 0 : i32
    return %c0_i32, %c0_i32_0 : i32, i32
  }
  func.func @transform_1(%arg0: i32, %arg1: memref<1024xi32, #tpu.memory_space<smem>>, %arg2: memref<1024xi32, #tpu.memory_space<smem>>, %arg3: memref<1024xi32, #tpu.memory_space<smem>>, %arg4: memref<1xi32, #tpu.memory_space<smem>>) -> (i32, i32) {
    %c0_i32 = arith.constant 0 : i32
    %c0_i32_0 = arith.constant 0 : i32
    %c0_i32_1 = arith.constant 0 : i32
    return %c0_i32, %c0_i32_0 : i32, i32
  }
  func.func @transform_2(%arg0: i32, %arg1: memref<1024xi32, #tpu.memory_space<smem>>, %arg2: memref<1024xi32, #tpu.memory_space<smem>>, %arg3: memref<1024xi32, #tpu.memory_space<smem>>, %arg4: memref<1xi32, #tpu.memory_space<smem>>) -> (i32, i32) {
    %c0_i32 = arith.constant 0 : i32
    %c0_i32_0 = arith.constant 0 : i32
    %c0_i32_1 = arith.constant 0 : i32
    return %c0_i32, %c0_i32_0 : i32, i32
  }
  func.func @transform_3(%arg0: i32, %arg1: memref<1024xi32, #tpu.memory_space<smem>>, %arg2: memref<1024xi32, #tpu.memory_space<smem>>, %arg3: memref<1024xi32, #tpu.memory_space<smem>>, %arg4: memref<1xi32, #tpu.memory_space<smem>>) -> (i32, i32) {
    %c0_i32 = arith.constant 0 : i32
    %c0_i32_0 = arith.constant 0 : i32
    %c0_i32_1 = arith.constant 0 : i32
    return %c0_i32, %c0_i32_0 : i32, i32
  }
  func.func @transform_4(%arg0: i32, %arg1: memref<1024xi32, #tpu.memory_space<smem>>, %arg2: memref<1024xi32, #tpu.memory_space<smem>>, %arg3: memref<1024xi32, #tpu.memory_space<smem>>, %arg4: memref<1xi32, #tpu.memory_space<smem>>) -> (i32, i32) {
    %c0_i32 = arith.constant 0 : i32
    %c0_i32_0 = arith.constant 0 : i32
    %c0_i32_1 = arith.constant 0 : i32
    return %c0_i32, %c0_i32_0 : i32, i32
  }
  func.func @transform_5(%arg0: i32, %arg1: memref<1024xi32, #tpu.memory_space<smem>>, %arg2: memref<1024xi32, #tpu.memory_space<smem>>, %arg3: memref<1024xi32, #tpu.memory_space<smem>>, %arg4: memref<1xi32, #tpu.memory_space<smem>>) -> (i32, i32) {
    %c0_i32 = arith.constant 0 : i32
    %c0_i32_0 = arith.constant 0 : i32
    %c0_i32_1 = arith.constant 0 : i32
    return %c0_i32, %c0_i32_0 : i32, i32
  }
  func.func @transform_6(%arg0: i32, %arg1: memref<1024xi32, #tpu.memory_space<smem>>, %arg2: memref<1024xi32, #tpu.memory_space<smem>>, %arg3: memref<1024xi32, #tpu.memory_space<smem>>, %arg4: memref<1xi32, #tpu.memory_space<smem>>) -> (i32, i32) {
    %c0_i32 = arith.constant 0 : i32
    %c0_i32_0 = arith.constant 0 : i32
    %c0_i32_1 = arith.constant 0 : i32
    return %c0_i32, %c0_i32_0 : i32, i32
  }
  func.func @transform_7(%arg0: i32, %arg1: memref<1024xi32, #tpu.memory_space<smem>>, %arg2: memref<1024xi32, #tpu.memory_space<smem>>, %arg3: memref<1024xi32, #tpu.memory_space<smem>>, %arg4: memref<1xi32, #tpu.memory_space<smem>>) -> (i32, i32) {
    %c0_i32 = arith.constant 0 : i32
    %c0_i32_0 = arith.constant 0 : i32
    %c0_i32_1 = arith.constant 0 : i32
    return %c0_i32, %c0_i32_0 : i32, i32
  }
  func.func @transform_8(%arg0: i32, %arg1: memref<1024xi32, #tpu.memory_space<smem>>, %arg2: memref<1024xi32, #tpu.memory_space<smem>>, %arg3: memref<1024xi32, #tpu.memory_space<smem>>, %arg4: memref<1xi32, #tpu.memory_space<smem>>) -> (i32, i32) {
    %c0_i32 = arith.constant 0 : i32
    %c0_i32_0 = arith.constant 0 : i32
    %c0_i32_1 = arith.constant 0 : i32
    return %c0_i32, %c0_i32_0 : i32, i32
  }
  func.func @transform_9(%arg0: i32, %arg1: memref<1024xi32, #tpu.memory_space<smem>>, %arg2: memref<1024xi32, #tpu.memory_space<smem>>, %arg3: memref<1024xi32, #tpu.memory_space<smem>>, %arg4: memref<1xi32, #tpu.memory_space<smem>>) -> (i32, i32) {
    %c0_i32 = arith.constant 0 : i32
    %c0_i32_0 = arith.constant 0 : i32
    %c0_i32_1 = arith.constant 0 : i32
    return %c0_i32, %c0_i32_0 : i32, i32
  }
  func.func @transform_10(%arg0: i32, %arg1: memref<1024xi32, #tpu.memory_space<smem>>, %arg2: memref<1024xi32, #tpu.memory_space<smem>>, %arg3: memref<1024xi32, #tpu.memory_space<smem>>, %arg4: memref<1xi32, #tpu.memory_space<smem>>) -> (i32, i32, i32) {
    %c0_i32 = arith.constant 0 : i32
    %c0_i32_0 = arith.constant 0 : i32
    %c0_i32_1 = arith.constant 0 : i32
    %c0_i32_2 = arith.constant 0 : i32
    return %c0_i32, %c0_i32_0, %c0_i32_1 : i32, i32, i32
  }
  func.func @transform_11(%arg0: i32, %arg1: memref<1024xi32, #tpu.memory_space<smem>>, %arg2: memref<1024xi32, #tpu.memory_space<smem>>, %arg3: memref<1024xi32, #tpu.memory_space<smem>>, %arg4: memref<1xi32, #tpu.memory_space<smem>>) -> (i32, i32) {
    %c0_i32 = arith.constant 0 : i32
    %c0_i32_0 = arith.constant 0 : i32
    %c0_i32_1 = arith.constant 0 : i32
    return %c0_i32, %c0_i32_0 : i32, i32
  }
  func.func @transform_12(%arg0: i32, %arg1: memref<1024xi32, #tpu.memory_space<smem>>, %arg2: memref<1024xi32, #tpu.memory_space<smem>>, %arg3: memref<1024xi32, #tpu.memory_space<smem>>, %arg4: memref<1xi32, #tpu.memory_space<smem>>) -> (i32, i32, i32) {
    %c0_i32 = arith.constant 0 : i32
    %c0_i32_0 = arith.constant 0 : i32
    %c0_i32_1 = arith.constant 0 : i32
    %c0_i32_2 = arith.constant 0 : i32
    return %c0_i32, %c0_i32_0, %c0_i32_1 : i32, i32, i32
  }
  func.func @transform_13(%arg0: i32, %arg1: memref<1024xi32, #tpu.memory_space<smem>>, %arg2: memref<1024xi32, #tpu.memory_space<smem>>, %arg3: memref<1024xi32, #tpu.memory_space<smem>>, %arg4: memref<1xi32, #tpu.memory_space<smem>>) -> (i32, i32) {
    %c0_i32 = arith.constant 0 : i32
    %c0_i32_0 = arith.constant 0 : i32
    %c0_i32_1 = arith.constant 0 : i32
    return %c0_i32, %c0_i32_0 : i32, i32
  }
}

</mosaic_0001>

<sc_bundles>
// kernel: sparse-core-data-format-call.cloned.1.call-start
scs
called_computation_lowered:
.L_overlay_start_0:
0x0: {  	s2 =	sld [smem:$0x3FD9]  }
0x1: {  	s3 =	sld [smem:$0x3FFE];
	_ =	sdelay $0x1  }
0x2: {  	s1 =	srdreg.scid  }
0x3: {  	s0 =	sand.u32 $0x1, s1  }
0x4: {  	s18 =	sshll.u32 s0, $0xA;
	s2 =	sadd.s32 s3, s2  }
0x5: {  	s2 =	sadd.s32 s2, s18  }
0x6: {  	[smem:$0x3FBA] =	sst s2  }
0x7: {  	_ = 	snop  }
0x8: {  	s2 =	sld [smem:$0x3FD0];
	(tm) =	ssettm $0x1  }
0x9: {  	s19 =	sld [smem:$0x3FFB];
	_ =	sdelay $0x3  }
0xa: {  	_ =	strace s19  }
0xb: {  	s3 =	sld [smem:$0x3FFC];
	_ =	sdelay $0x3  }
0xc: {  	_ =	strace s3  }
0xd: {  	s3 =	sld [smem:$0x3FFD];
	_ =	sdelay $0x3  }
0xe: {  	_ =	strace s3  }
0xf: {  	_ =	strace $0x8FFFFFFF  }
0x10: {  	s20 =	sld [smem:$0x3FDB];
	_ =	sdelay $0x1  }
0x11: {  	s4 =	simm.s32 $_scs_section_size  }
0x12: {  	s5 =	simm.s32 $_size__tile_overlayer_lowered;
	s6 =	simm.s32 $_tile_overlayer_lowered  }
0x13: {  	s23 =	simm.s32 $0x1BFF;
	s22 =	sshll.u32 s6, $0x1;
	s3 =	sadd.s32 s4, s20  }
0x14: {  	s7 =	simm.s32 $0x0;
	s21 =	sshll.u32 s5, $0x1;
	s5 =	sadd.s32 s22, s3  }
0x15: {  	[timem:s7], [sflag:s23] =	dma.local [hbm:s5], s21  }
0x16: {  	_ =	swait.ge [sflag:s23], s21  }
0x17: {  	s4 =	ssub.s32 $0x0, s21;
	[sflag:s23] =	ssyncset.done $0x0  }
0x18: {  	[sflag:s23] =	ssyncadd.s32 s4;
	_ =	sdelay $0x1  }
0x19: {  	s24 =	simm.s32 $0x1B8B  }
0x1a: {  	_ =	swait.ge [sflag:s24], $0x1  }
0x1b: {  	[sflag:s24] =	ssyncset.done $0x0  }
0x1c: {  	s26 =	simm.s32 $0x1B8E;
	s25 =	sld [smem:$0x3FFE];
	[sflag:s24] =	ssyncadd.s32 $0xFFFFFFFF  }
0x1d: {  	s27 =	simm.s32 $execute0_lowered;
	[smem:$0x3FD2] =	sst s26  }
0x1e: {  	s5 =	sshll.u32 s27, $0x1;
	_ =	strace $0x80000046;
	[dreg:$0x1] =	wrdreg $0xFFFFFFFF  }
0x1f: {  	s28 =	simm.s32 $_size_execute0_lowered;
	s3 =	sadd.s32 s3, s5;
	[dreg:$0x0] =	wrdreg $0x0  }
0x20: {  	s5 =	sshll.u32 s28, $0x1;
	[dreg:$0x2] =	wrdreg s3  }
0x21: {  	[dreg:$0x3] =	wrdreg s5  }
0x22: {  	[dreg:$0x4] =	wrdreg $0xC0  }
0x23: {  	_ =	task [dreg:s7], $0x5FFFF  }
0x24: {  	[dreg:$0x1] =	wrdreg $0xFFFFFFFF  }
0x25: {  	[dreg:$0x0] =	wrdreg $0x60  }
0x26: {  	[dreg:$0x2] =	wrdreg s25  }
0x27: {  	[dreg:$0x3] =	wrdreg s2  }
0x28: {  	[dreg:$0x4] =	wrdreg $0x9  }
0x29: {  	_ =	task.clear_ibuf [dreg:s7], $0x5FFFF;
	_ =	strace $0x90000046  }
0x2a: {  	s29 =	simm.s32 $0x9;
	_ =	strace $0x80000048  }
0x2b: {  	_ =	swait.ge [sflag:s29], $0x1  }
0x2c: {  	[sflag:s29] =	ssyncadd.s32 $0xFFFFFFFF  }
0x2d: {  	_ =	strace $0x90000048  }
0x2e: {  	_ =	sfence  }
0x2f: {  	s30 =	sld [smem:$0x0];
	_ =	sdelay $0x2  }
0x30: {  	s31 =	sshll.u32 s1, $0xD;
	s1 =	sshrl.u32 s1, $0x2  }
0x31: {  	s3 =	sand.u32 $0x4000, s31;
	s1 =	sadd.s32 s1, s30  }
0x32: {  	s0 =	sor.u32 s3, s0;
	s1 =	sshll.u32 s1, $0x11  }
0x33: {  	s0 =	sor.u32 s1, s0  }
0x34: {  	s0 =	sadd.s32 $0x8F2B, s0  }
0x35: {  	[sflag:s0] =	ssyncadd.remote.s32 $0x1  }
0x36: {  	_ =	sfence.sel $0xFFFF  }
0x37: {  	[dreg:$0x0] =	wrdreg $0xFFFFFFFF;
	(pc) =	sbr.abs _section_cstart, $3  }
0x38: {  	[dreg:$0x1] =	wrdreg $0xFFFFFFFF  }
0x39: {  	_ =	task.clear_ibuf [dreg:s7], $0x2FFFF;
	_ =	strace $0x9FFFFFFF  }
0x3a: {  	(tm) =	ssettm $0x7FFFFFFF  }
0x3b: {  	_ =	shalt  }
tec
execute0_lowered:
.L_overlay_start_1:
0x0: {  	(tag) =	ssettag $0x1  }
0x1: {  	s1 =	rddreg [dreg:$0x0]  }
0x2: {  	s2 =	rddreg [dreg:$0x1]  }
0x3: {  	s0 =	rddreg [dreg:$0x2]  }
0x4: {  	s4 =	srdreg.scid;
	_ =	strace $0x80000047;
	s6 =	simm.s32 $0x2  }
0x5: {  	s12 =	simm.s32 $0x0;
	p0 =	por $0x0, $0x0;
	s13 =	simm.s32 $0x0  }
.Ltmp0:
0x6: {  	s8 =	simm.s32 $0x0;
	s9 =	simm.s32 $0x0;
	(pc) =	sbr.rel .LBB1_1-.Ltmp0, $4  }
0x7: {  	s10 =	simm.s32 $0x0;
	s3 =	sadd.s32 $0x821B400, s1;
	s4 =	sshll.u32 s4, $0x4  }
0x8: {  	s1 =	stileid.u32;
	s5 =	sand.u32 $0x10, s4;
	s4 =	simm.s32 $0x1  }
0x9: {  	s7 =	simm.s32 $0x0;
	s5 =	sor.u32 s1, s5;
	[sflag:s4] =	ssyncpa.u1 $0x0  }
0xa: {  	[sflag:s6] =	ssyncpa.u1 $0x0;
	s6 =	simm.s32 $0x4000;
	s11 =	smov.u32 s5  }
.LBB1_5:
0xb: {  	p1 =	slt.u32 s7, $0x2  }
0xc: {  	p2 =	sgt.s32 @!p1 s13, $0x3FF  }
0xd: {  	s14 =	smov.u32 s13;
	s15 =	sshra.s32 @!p1 s13, $0x1F;
	p2 =	por !p2, p1  }
0xe: {  	s16 =	sshra.s32 @!p1 s12, $0x1F;
	s14 =	simm.s32 @p2 $0x3FF;
	p2 =	sgt.s32 @!p1 s12, $0x1F80  }
0xf: {  	s13 =	sand.u32 @!p1 s15, s13;
	s15 =	smov.u32 s12;
	p2 =	por !p2, p1  }
0x10: {  	s12 =	sand.u32 @!p1 s16, s12;
	s13 =	ssub.s32 @!p1 s14, s13;
	s15 =	simm.s32 @p2 $0x1F80  }
0x11: {  	s13 =	sadd.s32 @!p1 $0xFFFFFC01, s13;
	s12 =	ssub.s32 @!p1 s15, s12  }
0x12: {  	s16 =	smov.u32 s11;
	s14 =	sshll.u32 @!p1 s13, $0x1;
	s15 =	sadd.s32 @!p1 $0xFFFFE080, s12  }
0x13: {  	p2 =	sgt.s32 @!p1 s13, $0x0;
	s13 =	ssub.s32 @!p1 $0x2, s14;
	p3 =	sgt.s32 @!p1 s15, $0x7F  }
0x14: {  	p2 =	por !p2, p1;
	s12 =	ssub.s32 @!p1 $0x2000, s12;
	p3 =	por !p3, p1  }
0x15: {  	s14 =	sadd.s32 $0x80, s10;
	s13 =	simm.s32 @!p2 $0x0;
	s12 =	simm.s32 @!p3 $0x0  }
0x16: {  	p2 =	sgt.s32 s14, $0x1FFF;
	s12 =	smul.u32 @!p1 s12, s13;
	s13 =	sadd.s32 $0x20, s11  }
0x17: {  	s16 =	smov.u32 @p2 s13  }
0x18: {  	s7 =	sadd.s32 $0x1, s7;
	s14 =	simm.s32 @p2 $0x0;
	p2 =	sgt.s32 s16, $0x3FF  }
0x19: {  	s16 =	smov.u32 @p2 s5;
	p2 =	sne.s32 s7, $0x802  }
.Ltmp1:
0x1a: {  	p0 =	por !p0, !p0;
	(pc) =	sbr.rel @!p2 .LBB1_6-.Ltmp1, $4  }
0x1b: {  	s15 =	simm.s32 @!p1 $0x2;
	s13 =	smov.u32 s9;
	s12 =	sand.u32 @!p1 $0x3FFFFFFE, s12  }
0x1c: {  	s9 =	smov.u32 s11;
	_ =	swait.ge @!p1 [sflag:s15], s12;
	s17 =	ssub.s32 @!p1 $0x0, s12  }
0x1d: {  	s12 =	smov.u32 s8;
	s8 =	smov.u32 s10;
	[sflag:s15] =	ssyncset.done @!p1 $0x0  }
0x1e: {  	s10 =	smov.u32 s14;
	s11 =	smov.u32 s16;
	[sflag:s15] =	ssyncadd.s32 @!p1 s17  }
.LBB1_1:
0x1f: {  	p1 =	sgt.u32 s7, $0x7FF  }
0x20: {  	s14 =	sxor.u32 @!p1 $0xFFFFFFFF, s7  }
0x21: {  	s15 =	sshll.u32 @!p1 s11, $0x11;
	s16 =	sshll.u32 @!p1 s10, $0x4;
	s17 =	simm.s32 @!p1 $0x80  }
0x22: {  	s14 =	sshll.u32 @!p1 s14, $0xC;
	s16 =	sand.u32 @!p1 $0x1FFF0, s16;
	s15 =	sadd.s32 @!p1 s3, s15  }
0x23: {  	s14 =	sand.u32 @!p1 $0x1000, s14;
	s15 =	sadd.s32 @!p1 s16, s15;
	s16 =	simm.s32 @!p1 $0x20  }
0x24: {  	[tilespmem:s14], [sflag:$0x1] =	stream.strided.gather @!p1 [hbm4b:s15+s16], $0x1000, s17, s16, $0x38;
	[tilespmem:$0x4040] =	vst v63  }
0x25: {  	p1 =	seq.s32 s7, $0x0  }
0x26: {  	p2 =	seq.s32 @!p1 s7, $0x801  }
0x27: {  	p1 =	por p1, p2  }
.Ltmp2:
0x28: {  	_ = 	snop;
	(pc) =	sbr.rel @p1 .LBB1_5-.Ltmp2, $1  }
0x29: {  	_ =	sdelay $0x3  }
0x2a: {  	s14 =	simm.s32 $0x1  }
0x2b: {  	_ =	swait.ge [sflag:s4], $0x1000;
	s14 =	simm.s32 @!p0 $0x0  }
0x2c: {  	[sflag:s4] =	ssyncset.done $0x0;
	s15 =	sshll.u32 s14, $0xC  }
0x2d: {  	[sflag:s4] =	ssyncadd.s32 $0xFFFFF000;
	s18 =	sor.u32 $0x10, s15  }
0x2e: {  	s14 =	smul.u32 $0x4080, s14;
	v1 =	vld [tilespmem:s18+$0x0]  }
0x2f: {  	s30 =	sand.u32 $0x1, s7;
	v0 =	vld [tilespmem:s18+$0xFFFFFFF0]  }
0x30: {  	s15 =	smul.u32 $0x4080, s30;
	s14 =	sshrl.u32 s14, $0x2  }
0x31: {  	s16 =	sor.u32 $0x2000, s14  }
0x32: {  	s31 =	sshrl.u32 s15, $0x2;
	s15 =	sadd.s32 $0x0, s16  }
0x33: {  	s17 =	simm.s32 $0x4;
	s18 =	sadd.s32 $0x20, s18;
	s14 =	sor.u32 $0x2000, s31;
	[tilespmem:s15+$0x810 ss:$0x81] =	vst.msk $0xffff, v1  }
.LBB1_3:
0x34: {  	v1 =	vld [tilespmem:s18+$0x0];
	p1 =	sne.s32 s17, $0x1FC;
	[tilespmem:s15+$0x0 ss:$0x81] =	vst.msk $0xffff, v0;
	s15 =	smov.u32 s17;
	s17 =	sadd.s32 $0x4, s17  }
.Ltmp3:
0x35: {  	v0 =	vld [tilespmem:s18+$0xFFFFFFF0];
	(pc) =	sbr.rel @p1 .LBB1_3-.Ltmp3, $4  }
0x36: {  	_ = 	snop  }
0x37: {  	s15 =	sshra.s32 s15, $0x2  }
0x38: {  	s15 =	sadd.s32 s15, s16  }
0x39: {  	s18 =	sadd.s32 $0x20, s18;
	[tilespmem:s15+$0x810 ss:$0x81] =	vst.msk $0xffff, v1  }
0x3a: {  	p1 =	sgt.s32 s9, $0x3FF;
	s16 =	smov.u32 s9  }
0x3b: {  	s17 =	sshra.s32 s9, $0x1F;
	s18 =	sand.u32 $0x78, s8;
	s19 =	sshra.s32 s8, $0x1F  }
0x3c: {  	s20 =	sshll.u32 s8, $0x1;
	s25 =	sshll.u32 s9, $0xB;
	s26 =	sshrl.u32 s8, $0x2  }
0x3d: {  	s27 =	sand.u32 $0x7, s8;
	s16 =	simm.s32 @!p1 $0x3FF;
	s17 =	sand.u32 s17, s9  }
0x3e: {  	p1 =	sgt.s32 s8, $0x1F80;
	s16 =	ssub.s32 s16, s17;
	s17 =	smov.u32 s8  }
0x3f: {  	s19 =	sand.u32 s19, s8;
	s20 =	sand.u32 $0x1F00, s20;
	s17 =	simm.s32 @!p1 $0x1F80  }
0x40: {  	s18 =	sor.u32 s18, s20;
	s16 =	sadd.s32 $0xFFFFFC01, s16;
	s17 =	ssub.s32 s17, s19  }
0x41: {  	p1 =	sgt.s32 s16, $0x0;
	s16 =	sshll.u32 s16, $0x1;
	s19 =	sadd.s32 $0xFFFFE080, s17  }
0x42: {  	s16 =	ssub.s32 $0x2, s16;
	s17 =	ssub.s32 $0x2000, s17;
	p2 =	sgt.s32 s19, $0x7F  }
.Ltmp4:
0x43: {  	s16 =	simm.s32 @p1 $0x0;
	s17 =	simm.s32 @p2 $0x0;
	(pc) =	sbr.rel .LBB1_5-.Ltmp4, $4  }
0x44: {  	s19 =	sand.u32 $0x400, s26;
	s16 =	smul.u32 s17, s16;
	s17 =	sadd.s32 s2, s25  }
0x45: {  	s28 =	sshll.u32 s27, $0x12;
	s18 =	sshrl.u32 s18, $0x3;
	s17 =	sadd.s32 s19, s17  }
0x46: {  	[tilespmem:s15+$0x0 ss:$0x81] =	vst.msk $0xffff, v0;
	s31 =	sor.u32 $0x100, s28;
	s29 =	sand.u32 $0x3FFFFFFE, s16;
	s30 =	sadd.s32 s18, s17  }
0x47: {  	[hbm4b:s30+s31] =	stream.strided.scatter [tilespmem:s14], [sflag:$0x2], s29, s6, s31, $0x20;
	[tilespmem:$0x4040] =	vst v63  }
.LBB1_6:
0x48: {  	_ =	sfence.sel $0x180000  }
0x49: {  	s2 =	simm.s32 $0x1;
	[bflag:$0x0] =	sbarrier.arrive $0xFFFF  }
0x4a: {  	s31 =	simm.s32 $0x2;
	[sflag:s2] =	ssyncpa.u1 $0x1  }
0x4b: {  	[sflag:s31] =	ssyncpa.u1 $0x1  }
0x4c: {  	p0 =	sne.s32 s1, $0x0;
	_ =	strace $0x90000047  }
0x4d: {  	s0 =	sadd.s32 @!p0 $0x100000, s0;
	[bflag:$0x2] =	sbarrier.arrive $0xFFFF  }
0x4e: {  	[sflag:s0] =	ssyncadd.tile.s32 @!p0 $0x1;
	_ =	shalt  }
.Lfunc_end1:
_tile_overlayer_lowered:
.L_overlay_start_2:
0x4f: {  	(tag) =	ssettag $0x2  }
0x50: {  	s0 =	rddreg [dreg:$0x0];
	s2 =	stileid.u32  }
0x51: {  	s1 =	rddreg [dreg:$0x1];
	p0 =	sne.s32 s2, $0x0  }
0x52: {  	s3 =	rddreg [dreg:$0x2];
	[bflag:$0x3] =	sbarrier.arrive $0xFFFF;
	s2 =	simm.s32 @!p0 $0x1C01  }
0x53: {  	[timem:s3], [sflag:s2] =	dma.local @!p0 [hbm:s0], s1  }
0x54: {  	s0 =	simm.s32 @!p0 $0x1  }
0x55: {  	_ =	swait.ge @!p0 [sflag:s0], s1  }
0x56: {  	s1 =	ssub.s32 @!p0 $0x0, s1;
	[sflag:s0] =	ssyncset.done @!p0 $0x0  }
0x57: {  	[sflag:s0] =	ssyncadd.s32 @!p0 s1  }
0x58: {  	[bflag:$0x3] =	sbarrier.arrive $0xFFFF  }
0x59: {  	_ =	shalt  }

</sc_bundles>
